<compile_context>
chip_gen: v7x
topology: tpu7x:2x2x1
jax: 0.10.2.dev20260603
libtpu: 0.0.44.dev20260713+nightly
codegen_flags: <defaults>
</compile_context>

<pallas_src>
import functools

import jax
import jax.numpy as jnp
from jax import lax
from jax.experimental import pallas as pl
from jax.experimental.pallas import tpu as pltpu
from jax.experimental.pallas import tpu_sc as plsc


def _sc_geometry():
    try:
        info = plsc.get_sparse_core_info()
        return info.num_cores, info.num_subcores, info.num_lanes
    except Exception:
        return 2, 16, 16


@functools.lru_cache(maxsize=None)
def _build(batch, dom0, dom1):
    num_cores, num_subcores, lanes = _sc_geometry()
    num_workers = num_cores * num_subcores
    assert batch % num_workers == 0
    bpw = batch // num_workers
    chunk = 128
    assert bpw % chunk == 0
    nchunks = bpw // chunk
    assert chunk % lanes == 0

    mesh = plsc.VectorSubcoreMesh(core_axis_name="c", subcore_axis_name="s")

    @functools.partial(
        pl.kernel,
        mesh=mesh,
        out_type=jax.ShapeDtypeStruct((batch,), jnp.float32),
        scratch_types=[
            pltpu.VMEM((bpw // 128, 2, 128), jnp.int32),
            pltpu.VMEM((bpw,), jnp.int32),
            pltpu.VMEM((bpw,), jnp.float32),
            pltpu.SemaphoreType.DMA,
        ],
    )
    def gather_kernel(xb_hbm, w_hbm, out_hbm, xv, idx_v, out_v, sem):
        wid = lax.axis_index("s") * num_cores + lax.axis_index("c")
        base = wid * bpw
        nb = bpw // 128
        pltpu.sync_copy(xb_hbm.at[pl.ds(wid * nb, nb), :, :], xv)
        for t in range(bpw // lanes):
            blk, off = (t * lanes) // 128, (t * lanes) % 128
            sl = pl.ds(off, lanes)
            idx_v[pl.ds(t * lanes, lanes)] = xv[blk, 0, sl] * dom1 + xv[blk, 1, sl]
        copies = [
            pltpu.async_copy(
                w_hbm.at[idx_v.at[pl.ds(j * chunk, chunk)]],
                out_v.at[pl.ds(j * chunk, chunk)],
                sem,
            )
            for j in range(nchunks)
        ]
        for c in copies:
            c.wait()
        pltpu.sync_copy(out_v, out_hbm.at[pl.ds(base, bpw)])

    return gather_kernel


def kernel(x, weights):
    batch = x.shape[0]
    dom0, dom1 = weights.shape
    w_flat = weights.reshape(dom0 * dom1)
    xb = x.reshape(batch // 128, 128, 2).transpose(0, 2, 1)
    return _build(batch, dom0, dom1)(xb, w_flat)

# --- scband reference (transcript-rebuilt; emitter-appended) ---
"""Pipeline reference for scband-gauss-factor-10694468567308 (READ-ONLY COPY).

The authoritative reference and input builder live on the scoring server;
editing this copy changes nothing except your own understanding.
"""

import jax, jax.numpy as jnp
import numpy as np

DOMAINS = (1000, 1000)
BATCH = 16384

def setup_inputs(seed: int = 0) -> dict:
    key = jax.random.key(seed)
    k1, k2 = jax.random.split(key)
    x = jax.random.randint(k1, (BATCH, len(DOMAINS)), 0, 1000, dtype=jnp.int32)
    # learned parameter: the factor's weight table over all discrete worlds
    weights = jax.random.normal(k2, DOMAINS, dtype=jnp.float32)
    return {"x": x, "weights": weights}

def reference(x, weights):
    # Faithful translation of GaussFactor.forward for the all-discrete case:
    #   discrete_values = x[:, discrete_indices]  (here: all columns)
    #   discrete_probs = self.weights[discrete_values.chunk(k, -1)].squeeze(-1)
    # i.e. a multi-dimensional gather (embedding lookup) into the weight table.
    i0 = x[:, 0]
    i1 = x[:, 1]
    discrete_probs = weights[i0, i1]
    return discrete_probs

if __name__ == "__main__":
    import jax
    _d = setup_inputs()
    print(jax.jit(kernel)(*tuple(_d.values())))

</pallas_src>

<mosaic_0001>
#map = affine_map<(d0, d1) -> (0, 0, 0)>
#map1 = affine_map<(d0, d1) -> (0)>
module attributes {stable_mosaic.version = 14 : i64} {
  func.func @gather_kernel(%arg0: i32, %arg1: i32, %arg2: memref<128x2x128xi32, #tpu.memory_space<hbm>>, %arg3: memref<1000000xf32, #tpu.memory_space<hbm>>, %arg4: memref<16384xf32, #tpu.memory_space<hbm>>, %arg5: memref<4x2x128xi32, #tpu.memory_space<vmem>>, %arg6: memref<512xi32, #tpu.memory_space<vmem>>, %arg7: memref<512xf32, #tpu.memory_space<vmem>>, %arg8: memref<!tpu.dma_semaphore, #tpu.memory_space<semaphore_mem>>) attributes {dimension_semantics = [#tpu.dimension_semantics<core_parallel>, #tpu.dimension_semantics<subcore_parallel>], iteration_bounds = array<i64: 2, 16>, scalar_prefetch = 0 : i64, scratch_operands = 4 : i64, tpu.core_type = #tpu.core_type<sc_vector_subcore>, window_params = [{transform_indices = #map}, {transform_indices = #map1}, {transform_indices = #map1}]} {
    %mul3A = arith.constant 2 : i32
    %mul3A_0 = arith.muli %arg1, %mul3A : i32
    %add3A = arith.addi %mul3A_0, %arg0 : i32
    %mul3A_1 = arith.constant 512 : i32
    %mul3A_2 = arith.muli %add3A, %mul3A_1 : i32
    %mul3A_3 = arith.constant 4 : i32
    %mul3A_4 = arith.muli %add3A, %mul3A_3 : i32
    "tpu.region"() ({
      %run_scoped3A = tpu.sem_alloc : memref<!tpu.dma_semaphore, #tpu.memory_space<semaphore_mem>>
      %dma_start3A_753 = arith.constant 0 : i32
      %dma_start3A_754 = arith.constant 0 : i32
      %dma_start3A_755 = tpu.memref_slice %arg2[%mul3A_4, %dma_start3A_753, %dma_start3A_754] : memref<128x2x128xi32, #tpu.memory_space<hbm>> -> memref<4x2x128xi32, #tpu.memory_space<hbm>>
      %dma_start3A_756 = arith.constant 0 : i32
      %dma_start3A_757 = arith.constant 0 : i32
      %dma_start3A_758 = tpu.memref_slice %arg2[%mul3A_4, %dma_start3A_756, %dma_start3A_757] : memref<128x2x128xi32, #tpu.memory_space<hbm>> -> memref<4x2x128xi32, #tpu.memory_space<hbm>>
      tpu.enqueue_dma source(%dma_start3A_758 : memref<4x2x128xi32, #tpu.memory_space<hbm>>) target(%arg5 : memref<4x2x128xi32, #tpu.memory_space<vmem>>) target_semaphore(%run_scoped3A : memref<!tpu.dma_semaphore, #tpu.memory_space<semaphore_mem>>)
      %dma_wait3A_759 = arith.constant 0 : i32
      %dma_wait3A_760 = arith.constant 0 : i32
      %dma_wait3A_761 = tpu.memref_slice %arg2[%mul3A_4, %dma_wait3A_759, %dma_wait3A_760] : memref<128x2x128xi32, #tpu.memory_space<hbm>> -> memref<4x2x128xi32, #tpu.memory_space<hbm>>
      %dma_wait3A_762 = arith.constant 0 : i32
      %dma_wait3A_763 = arith.constant 0 : i32
      %dma_wait3A_764 = tpu.memref_slice %arg2[%mul3A_4, %dma_wait3A_762, %dma_wait3A_763] : memref<128x2x128xi32, #tpu.memory_space<hbm>> -> memref<4x2x128xi32, #tpu.memory_space<hbm>>
      tpu.wait_dma2 semaphore(%run_scoped3A : memref<!tpu.dma_semaphore, #tpu.memory_space<semaphore_mem>>) src(%dma_wait3A_764 : memref<4x2x128xi32, #tpu.memory_space<hbm>>) dst(%arg5 : memref<4x2x128xi32, #tpu.memory_space<vmem>>)
      tpu.yield
    }) : () -> ()
    %get3A = arith.constant 0 : i32
    %get3A_5 = arith.constant 0 : i32
    %get3A_6 = arith.index_cast %get3A : i32 to index
    %get3A_7 = arith.index_cast %get3A_5 : i32 to index
    %get3A_8 = arith.constant 0 : index
    %get3A_9 = tpu.vector_load %arg5[%get3A_6, %get3A_7, %get3A_8] {strides = array<i32>} : memref<4x2x128xi32, #tpu.memory_space<vmem>>, vector<1x1x16xi32>,
    %get3A_10 = vector.shape_cast %get3A_9 : vector<1x1x16xi32> to vector<16xi32>
    %mul3A_11 = arith.constant 1000 : i32
    %mul3A_12 = vector.broadcast %mul3A_11 : i32 to vector<16xi32>
    %mul3A_13 = arith.muli %get3A_10, %mul3A_12 : vector<16xi32>
    %get3A_14 = arith.constant 0 : i32
    %get3A_15 = arith.constant 1 : i32
    %get3A_16 = arith.index_cast %get3A_14 : i32 to index
    %get3A_17 = arith.index_cast %get3A_15 : i32 to index
    %get3A_18 = arith.constant 0 : index
    %get3A_19 = tpu.vector_load %arg5[%get3A_16, %get3A_17, %get3A_18] {strides = array<i32>} : memref<4x2x128xi32, #tpu.memory_space<vmem>>, vector<1x1x16xi32>,
    %get3A_20 = vector.shape_cast %get3A_19 : vector<1x1x16xi32> to vector<16xi32>
    %add3A_21 = arith.addi %mul3A_13, %get3A_20 : vector<16xi32>
    %swap3A = arith.constant 0 : index
    %swap3A_22 = tpu.vector_load %arg6[%swap3A] {strides = array<i32>} : memref<512xi32, #tpu.memory_space<vmem>>, vector<16xi32>,
    %swap3A_23 = vector.shape_cast %swap3A_22 : vector<16xi32> to vector<16xi32>
    %swap3A_24 = vector.shape_cast %add3A_21 : vector<16xi32> to vector<16xi32>
    tpu.vector_store %arg6[%swap3A], %swap3A_24 {strides = array<i32>} : memref<512xi32, #tpu.memory_space<vmem>>, vector<16xi32>,
    %get3A_25 = arith.constant 0 : i32
    %get3A_26 = arith.constant 0 : i32
    %get3A_27 = arith.index_cast %get3A_25 : i32 to index
    %get3A_28 = arith.index_cast %get3A_26 : i32 to index
    %get3A_29 = arith.constant 16 : index
    %get3A_30 = tpu.vector_load %arg5[%get3A_27, %get3A_28, %get3A_29] {strides = array<i32>} : memref<4x2x128xi32, #tpu.memory_space<vmem>>, vector<1x1x16xi32>,
    %get3A_31 = vector.shape_cast %get3A_30 : vector<1x1x16xi32> to vector<16xi32>
    %mul3A_32 = arith.constant 1000 : i32
    %mul3A_33 = vector.broadcast %mul3A_32 : i32 to vector<16xi32>
    %mul3A_34 = arith.muli %get3A_31, %mul3A_33 : vector<16xi32>
    %get3A_35 = arith.constant 0 : i32
    %get3A_36 = arith.constant 1 : i32
    %get3A_37 = arith.index_cast %get3A_35 : i32 to index
    %get3A_38 = arith.index_cast %get3A_36 : i32 to index
    %get3A_39 = arith.constant 16 : index
    %get3A_40 = tpu.vector_load %arg5[%get3A_37, %get3A_38, %get3A_39] {strides = array<i32>} : memref<4x2x128xi32, #tpu.memory_space<vmem>>, vector<1x1x16xi32>,
    %get3A_41 = vector.shape_cast %get3A_40 : vector<1x1x16xi32> to vector<16xi32>
    %add3A_42 = arith.addi %mul3A_34, %get3A_41 : vector<16xi32>
    %swap3A_43 = arith.constant 16 : index
    %swap3A_44 = tpu.vector_load %arg6[%swap3A_43] {strides = array<i32>} : memref<512xi32, #tpu.memory_space<vmem>>, vector<16xi32>,
    %swap3A_45 = vector.shape_cast %swap3A_44 : vector<16xi32> to vector<16xi32>
    %swap3A_46 = vector.shape_cast %add3A_42 : vector<16xi32> to vector<16xi32>
    tpu.vector_store %arg6[%swap3A_43], %swap3A_46 {strides = array<i32>} : memref<512xi32, #tpu.memory_space<vmem>>, vector<16xi32>,
    %get3A_47 = arith.constant 0 : i32
    %get3A_48 = arith.constant 0 : i32
    %get3A_49 = arith.index_cast %get3A_47 : i32 to index
    %get3A_50 = arith.index_cast %get3A_48 : i32 to index
    %get3A_51 = arith.constant 32 : index
    %get3A_52 = tpu.vector_load %arg5[%get3A_49, %get3A_50, %get3A_51] {strides = array<i32>} : memref<4x2x128xi32, #tpu.memory_space<vmem>>, vector<1x1x16xi32>,
    %get3A_53 = vector.shape_cast %get3A_52 : vector<1x1x16xi32> to vector<16xi32>
    %mul3A_54 = arith.constant 1000 : i32
    %mul3A_55 = vector.broadcast %mul3A_54 : i32 to vector<16xi32>
    %mul3A_56 = arith.muli %get3A_53, %mul3A_55 : vector<16xi32>
    %get3A_57 = arith.constant 0 : i32
    %get3A_58 = arith.constant 1 : i32
    %get3A_59 = arith.index_cast %get3A_57 : i32 to index
    %get3A_60 = arith.index_cast %get3A_58 : i32 to index
    %get3A_61 = arith.constant 32 : index
    %get3A_62 = tpu.vector_load %arg5[%get3A_59, %get3A_60, %get3A_61] {strides = array<i32>} : memref<4x2x128xi32, #tpu.memory_space<vmem>>, vector<1x1x16xi32>,
    %get3A_63 = vector.shape_cast %get3A_62 : vector<1x1x16xi32> to vector<16xi32>
    %add3A_64 = arith.addi %mul3A_56, %get3A_63 : vector<16xi32>
    %swap3A_65 = arith.constant 32 : index
    %swap3A_66 = tpu.vector_load %arg6[%swap3A_65] {strides = array<i32>} : memref<512xi32, #tpu.memory_space<vmem>>, vector<16xi32>,
    %swap3A_67 = vector.shape_cast %swap3A_66 : vector<16xi32> to vector<16xi32>
    %swap3A_68 = vector.shape_cast %add3A_64 : vector<16xi32> to vector<16xi32>
    tpu.vector_store %arg6[%swap3A_65], %swap3A_68 {strides = array<i32>} : memref<512xi32, #tpu.memory_space<vmem>>, vector<16xi32>,
    %get3A_69 = arith.constant 0 : i32
    %get3A_70 = arith.constant 0 : i32
    %get3A_71 = arith.index_cast %get3A_69 : i32 to index
    %get3A_72 = arith.index_cast %get3A_70 : i32 to index
    %get3A_73 = arith.constant 48 : index
    %get3A_74 = tpu.vector_load %arg5[%get3A_71, %get3A_72, %get3A_73] {strides = array<i32>} : memref<4x2x128xi32, #tpu.memory_space<vmem>>, vector<1x1x16xi32>,
    %get3A_75 = vector.shape_cast %get3A_74 : vector<1x1x16xi32> to vector<16xi32>
    %mul3A_76 = arith.constant 1000 : i32
    %mul3A_77 = vector.broadcast %mul3A_76 : i32 to vector<16xi32>
    %mul3A_78 = arith.muli %get3A_75, %mul3A_77 : vector<16xi32>
    %get3A_79 = arith.constant 0 : i32
    %get3A_80 = arith.constant 1 : i32
    %get3A_81 = arith.index_cast %get3A_79 : i32 to index
    %get3A_82 = arith.index_cast %get3A_80 : i32 to index
    %get3A_83 = arith.constant 48 : index
    %get3A_84 = tpu.vector_load %arg5[%get3A_81, %get3A_82, %get3A_83] {strides = array<i32>} : memref<4x2x128xi32, #tpu.memory_space<vmem>>, vector<1x1x16xi32>,
    %get3A_85 = vector.shape_cast %get3A_84 : vector<1x1x16xi32> to vector<16xi32>
    %add3A_86 = arith.addi %mul3A_78, %get3A_85 : vector<16xi32>
    %swap3A_87 = arith.constant 48 : index
    %swap3A_88 = tpu.vector_load %arg6[%swap3A_87] {strides = array<i32>} : memref<512xi32, #tpu.memory_space<vmem>>, vector<16xi32>,
    %swap3A_89 = vector.shape_cast %swap3A_88 : vector<16xi32> to vector<16xi32>
    %swap3A_90 = vector.shape_cast %add3A_86 : vector<16xi32> to vector<16xi32>
    tpu.vector_store %arg6[%swap3A_87], %swap3A_90 {strides = array<i32>} : memref<512xi32, #tpu.memory_space<vmem>>, vector<16xi32>,
    %get3A_91 = arith.constant 0 : i32
    %get3A_92 = arith.constant 0 : i32
    %get3A_93 = arith.index_cast %get3A_91 : i32 to index
    %get3A_94 = arith.index_cast %get3A_92 : i32 to index
    %get3A_95 = arith.constant 64 : index
    %get3A_96 = tpu.vector_load %arg5[%get3A_93, %get3A_94, %get3A_95] {strides = array<i32>} : memref<4x2x128xi32, #tpu.memory_space<vmem>>, vector<1x1x16xi32>,
    %get3A_97 = vector.shape_cast %get3A_96 : vector<1x1x16xi32> to vector<16xi32>
    %mul3A_98 = arith.constant 1000 : i32
    %mul3A_99 = vector.broadcast %mul3A_98 : i32 to vector<16xi32>
    %mul3A_100 = arith.muli %get3A_97, %mul3A_99 : vector<16xi32>
    %get3A_101 = arith.constant 0 : i32
    %get3A_102 = arith.constant 1 : i32
    %get3A_103 = arith.index_cast %get3A_101 : i32 to index
    %get3A_104 = arith.index_cast %get3A_102 : i32 to index
    %get3A_105 = arith.constant 64 : index
    %get3A_106 = tpu.vector_load %arg5[%get3A_103, %get3A_104, %get3A_105] {strides = array<i32>} : memref<4x2x128xi32, #tpu.memory_space<vmem>>, vector<1x1x16xi32>,
    %get3A_107 = vector.shape_cast %get3A_106 : vector<1x1x16xi32> to vector<16xi32>
    %add3A_108 = arith.addi %mul3A_100, %get3A_107 : vector<16xi32>
    %swap3A_109 = arith.constant 64 : index
    %swap3A_110 = tpu.vector_load %arg6[%swap3A_109] {strides = array<i32>} : memref<512xi32, #tpu.memory_space<vmem>>, vector<16xi32>,
    %swap3A_111 = vector.shape_cast %swap3A_110 : vector<16xi32> to vector<16xi32>
    %swap3A_112 = vector.shape_cast %add3A_108 : vector<16xi32> to vector<16xi32>
    tpu.vector_store %arg6[%swap3A_109], %swap3A_112 {strides = array<i32>} : memref<512xi32, #tpu.memory_space<vmem>>, vector<16xi32>,
    %get3A_113 = arith.constant 0 : i32
    %get3A_114 = arith.constant 0 : i32
    %get3A_115 = arith.index_cast %get3A_113 : i32 to index
    %get3A_116 = arith.index_cast %get3A_114 : i32 to index
    %get3A_117 = arith.constant 80 : index
    %get3A_118 = tpu.vector_load %arg5[%get3A_115, %get3A_116, %get3A_117] {strides = array<i32>} : memref<4x2x128xi32, #tpu.memory_space<vmem>>, vector<1x1x16xi32>,
    %get3A_119 = vector.shape_cast %get3A_118 : vector<1x1x16xi32> to vector<16xi32>
    %mul3A_120 = arith.constant 1000 : i32
    %mul3A_121 = vector.broadcast %mul3A_120 : i32 to vector<16xi32>
    %mul3A_122 = arith.muli %get3A_119, %mul3A_121 : vector<16xi32>
    %get3A_123 = arith.constant 0 : i32
    %get3A_124 = arith.constant 1 : i32
    %get3A_125 = arith.index_cast %get3A_123 : i32 to index
    %get3A_126 = arith.index_cast %get3A_124 : i32 to index
    %get3A_127 = arith.constant 80 : index
    %get3A_128 = tpu.vector_load %arg5[%get3A_125, %get3A_126, %get3A_127] {strides = array<i32>} : memref<4x2x128xi32, #tpu.memory_space<vmem>>, vector<1x1x16xi32>,
    %get3A_129 = vector.shape_cast %get3A_128 : vector<1x1x16xi32> to vector<16xi32>
    %add3A_130 = arith.addi %mul3A_122, %get3A_129 : vector<16xi32>
    %swap3A_131 = arith.constant 80 : index
    %swap3A_132 = tpu.vector_load %arg6[%swap3A_131] {strides = array<i32>} : memref<512xi32, #tpu.memory_space<vmem>>, vector<16xi32>,
    %swap3A_133 = vector.shape_cast %swap3A_132 : vector<16xi32> to vector<16xi32>
    %swap3A_134 = vector.shape_cast %add3A_130 : vector<16xi32> to vector<16xi32>
    tpu.vector_store %arg6[%swap3A_131], %swap3A_134 {strides = array<i32>} : memref<512xi32, #tpu.memory_space<vmem>>, vector<16xi32>,
    %get3A_135 = arith.constant 0 : i32
    %get3A_136 = arith.constant 0 : i32
    %get3A_137 = arith.index_cast %get3A_135 : i32 to index
    %get3A_138 = arith.index_cast %get3A_136 : i32 to index
    %get3A_139 = arith.constant 96 : index
    %get3A_140 = tpu.vector_load %arg5[%get3A_137, %get3A_138, %get3A_139] {strides = array<i32>} : memref<4x2x128xi32, #tpu.memory_space<vmem>>, vector<1x1x16xi32>,
    %get3A_141 = vector.shape_cast %get3A_140 : vector<1x1x16xi32> to vector<16xi32>
    %mul3A_142 = arith.constant 1000 : i32
    %mul3A_143 = vector.broadcast %mul3A_142 : i32 to vector<16xi32>
    %mul3A_144 = arith.muli %get3A_141, %mul3A_143 : vector<16xi32>
    %get3A_145 = arith.constant 0 : i32
    %get3A_146 = arith.constant 1 : i32
    %get3A_147 = arith.index_cast %get3A_145 : i32 to index
    %get3A_148 = arith.index_cast %get3A_146 : i32 to index
    %get3A_149 = arith.constant 96 : index
    %get3A_150 = tpu.vector_load %arg5[%get3A_147, %get3A_148, %get3A_149] {strides = array<i32>} : memref<4x2x128xi32, #tpu.memory_space<vmem>>, vector<1x1x16xi32>,
    %get3A_151 = vector.shape_cast %get3A_150 : vector<1x1x16xi32> to vector<16xi32>
    %add3A_152 = arith.addi %mul3A_144, %get3A_151 : vector<16xi32>
    %swap3A_153 = arith.constant 96 : index
    %swap3A_154 = tpu.vector_load %arg6[%swap3A_153] {strides = array<i32>} : memref<512xi32, #tpu.memory_space<vmem>>, vector<16xi32>,
    %swap3A_155 = vector.shape_cast %swap3A_154 : vector<16xi32> to vector<16xi32>
    %swap3A_156 = vector.shape_cast %add3A_152 : vector<16xi32> to vector<16xi32>
    tpu.vector_store %arg6[%swap3A_153], %swap3A_156 {strides = array<i32>} : memref<512xi32, #tpu.memory_space<vmem>>, vector<16xi32>,
    %get3A_157 = arith.constant 0 : i32
    %get3A_158 = arith.constant 0 : i32
    %get3A_159 = arith.index_cast %get3A_157 : i32 to index
    %get3A_160 = arith.index_cast %get3A_158 : i32 to index
    %get3A_161 = arith.constant 112 : index
    %get3A_162 = tpu.vector_load %arg5[%get3A_159, %get3A_160, %get3A_161] {strides = array<i32>} : memref<4x2x128xi32, #tpu.memory_space<vmem>>, vector<1x1x16xi32>,
    %get3A_163 = vector.shape_cast %get3A_162 : vector<1x1x16xi32> to vector<16xi32>
    %mul3A_164 = arith.constant 1000 : i32
    %mul3A_165 = vector.broadcast %mul3A_164 : i32 to vector<16xi32>
    %mul3A_166 = arith.muli %get3A_163, %mul3A_165 : vector<16xi32>
    %get3A_167 = arith.constant 0 : i32
    %get3A_168 = arith.constant 1 : i32
    %get3A_169 = arith.index_cast %get3A_167 : i32 to index
    %get3A_170 = arith.index_cast %get3A_168 : i32 to index
    %get3A_171 = arith.constant 112 : index
    %get3A_172 = tpu.vector_load %arg5[%get3A_169, %get3A_170, %get3A_171] {strides = array<i32>} : memref<4x2x128xi32, #tpu.memory_space<vmem>>, vector<1x1x16xi32>,
    %get3A_173 = vector.shape_cast %get3A_172 : vector<1x1x16xi32> to vector<16xi32>
    %add3A_174 = arith.addi %mul3A_166, %get3A_173 : vector<16xi32>
    %swap3A_175 = arith.constant 112 : index
    %swap3A_176 = tpu.vector_load %arg6[%swap3A_175] {strides = array<i32>} : memref<512xi32, #tpu.memory_space<vmem>>, vector<16xi32>,
    %swap3A_177 = vector.shape_cast %swap3A_176 : vector<16xi32> to vector<16xi32>
    %swap3A_178 = vector.shape_cast %add3A_174 : vector<16xi32> to vector<16xi32>
    tpu.vector_store %arg6[%swap3A_175], %swap3A_178 {strides = array<i32>} : memref<512xi32, #tpu.memory_space<vmem>>, vector<16xi32>,
    %get3A_179 = arith.constant 1 : i32
    %get3A_180 = arith.constant 0 : i32
    %get3A_181 = arith.index_cast %get3A_179 : i32 to index
    %get3A_182 = arith.index_cast %get3A_180 : i32 to index
    %get3A_183 = arith.constant 0 : index
    %get3A_184 = tpu.vector_load %arg5[%get3A_181, %get3A_182, %get3A_183] {strides = array<i32>} : memref<4x2x128xi32, #tpu.memory_space<vmem>>, vector<1x1x16xi32>,
    %get3A_185 = vector.shape_cast %get3A_184 : vector<1x1x16xi32> to vector<16xi32>
    %mul3A_186 = arith.constant 1000 : i32
    %mul3A_187 = vector.broadcast %mul3A_186 : i32 to vector<16xi32>
    %mul3A_188 = arith.muli %get3A_185, %mul3A_187 : vector<16xi32>
    %get3A_189 = arith.constant 1 : i32
    %get3A_190 = arith.constant 1 : i32
    %get3A_191 = arith.index_cast %get3A_189 : i32 to index
    %get3A_192 = arith.index_cast %get3A_190 : i32 to index
    %get3A_193 = arith.constant 0 : index
    %get3A_194 = tpu.vector_load %arg5[%get3A_191, %get3A_192, %get3A_193] {strides = array<i32>} : memref<4x2x128xi32, #tpu.memory_space<vmem>>, vector<1x1x16xi32>,
    %get3A_195 = vector.shape_cast %get3A_194 : vector<1x1x16xi32> to vector<16xi32>
    %add3A_196 = arith.addi %mul3A_188, %get3A_195 : vector<16xi32>
    %swap3A_197 = arith.constant 128 : index
    %swap3A_198 = tpu.vector_load %arg6[%swap3A_197] {strides = array<i32>} : memref<512xi32, #tpu.memory_space<vmem>>, vector<16xi32>,
    %swap3A_199 = vector.shape_cast %swap3A_198 : vector<16xi32> to vector<16xi32>
    %swap3A_200 = vector.shape_cast %add3A_196 : vector<16xi32> to vector<16xi32>
    tpu.vector_store %arg6[%swap3A_197], %swap3A_200 {strides = array<i32>} : memref<512xi32, #tpu.memory_space<vmem>>, vector<16xi32>,
    %get3A_201 = arith.constant 1 : i32
    %get3A_202 = arith.constant 0 : i32
    %get3A_203 = arith.index_cast %get3A_201 : i32 to index
    %get3A_204 = arith.index_cast %get3A_202 : i32 to index
    %get3A_205 = arith.constant 16 : index
    %get3A_206 = tpu.vector_load %arg5[%get3A_203, %get3A_204, %get3A_205] {strides = array<i32>} : memref<4x2x128xi32, #tpu.memory_space<vmem>>, vector<1x1x16xi32>,
    %get3A_207 = vector.shape_cast %get3A_206 : vector<1x1x16xi32> to vector<16xi32>
    %mul3A_208 = arith.constant 1000 : i32
    %mul3A_209 = vector.broadcast %mul3A_208 : i32 to vector<16xi32>
    %mul3A_210 = arith.muli %get3A_207, %mul3A_209 : vector<16xi32>
    %get3A_211 = arith.constant 1 : i32
    %get3A_212 = arith.constant 1 : i32
    %get3A_213 = arith.index_cast %get3A_211 : i32 to index
    %get3A_214 = arith.index_cast %get3A_212 : i32 to index
    %get3A_215 = arith.constant 16 : index
    %get3A_216 = tpu.vector_load %arg5[%get3A_213, %get3A_214, %get3A_215] {strides = array<i32>} : memref<4x2x128xi32, #tpu.memory_space<vmem>>, vector<1x1x16xi32>,
    %get3A_217 = vector.shape_cast %get3A_216 : vector<1x1x16xi32> to vector<16xi32>
    %add3A_218 = arith.addi %mul3A_210, %get3A_217 : vector<16xi32>
    %swap3A_219 = arith.constant 144 : index
    %swap3A_220 = tpu.vector_load %arg6[%swap3A_219] {strides = array<i32>} : memref<512xi32, #tpu.memory_space<vmem>>, vector<16xi32>,
    %swap3A_221 = vector.shape_cast %swap3A_220 : vector<16xi32> to vector<16xi32>
    %swap3A_222 = vector.shape_cast %add3A_218 : vector<16xi32> to vector<16xi32>
    tpu.vector_store %arg6[%swap3A_219], %swap3A_222 {strides = array<i32>} : memref<512xi32, #tpu.memory_space<vmem>>, vector<16xi32>,
    %get3A_223 = arith.constant 1 : i32
    %get3A_224 = arith.constant 0 : i32
    %get3A_225 = arith.index_cast %get3A_223 : i32 to index
    %get3A_226 = arith.index_cast %get3A_224 : i32 to index
    %get3A_227 = arith.constant 32 : index
    %get3A_228 = tpu.vector_load %arg5[%get3A_225, %get3A_226, %get3A_227] {strides = array<i32>} : memref<4x2x128xi32, #tpu.memory_space<vmem>>, vector<1x1x16xi32>,
    %get3A_229 = vector.shape_cast %get3A_228 : vector<1x1x16xi32> to vector<16xi32>
    %mul3A_230 = arith.constant 1000 : i32
    %mul3A_231 = vector.broadcast %mul3A_230 : i32 to vector<16xi32>
    %mul3A_232 = arith.muli %get3A_229, %mul3A_231 : vector<16xi32>
    %get3A_233 = arith.constant 1 : i32
    %get3A_234 = arith.constant 1 : i32
    %get3A_235 = arith.index_cast %get3A_233 : i32 to index
    %get3A_236 = arith.index_cast %get3A_234 : i32 to index
    %get3A_237 = arith.constant 32 : index
    %get3A_238 = tpu.vector_load %arg5[%get3A_235, %get3A_236, %get3A_237] {strides = array<i32>} : memref<4x2x128xi32, #tpu.memory_space<vmem>>, vector<1x1x16xi32>,
    %get3A_239 = vector.shape_cast %get3A_238 : vector<1x1x16xi32> to vector<16xi32>
    %add3A_240 = arith.addi %mul3A_232, %get3A_239 : vector<16xi32>
    %swap3A_241 = arith.constant 160 : index
    %swap3A_242 = tpu.vector_load %arg6[%swap3A_241] {strides = array<i32>} : memref<512xi32, #tpu.memory_space<vmem>>, vector<16xi32>,
    %swap3A_243 = vector.shape_cast %swap3A_242 : vector<16xi32> to vector<16xi32>
    %swap3A_244 = vector.shape_cast %add3A_240 : vector<16xi32> to vector<16xi32>
    tpu.vector_store %arg6[%swap3A_241], %swap3A_244 {strides = array<i32>} : memref<512xi32, #tpu.memory_space<vmem>>, vector<16xi32>,
    %get3A_245 = arith.constant 1 : i32
    %get3A_246 = arith.constant 0 : i32
    %get3A_247 = arith.index_cast %get3A_245 : i32 to index
    %get3A_248 = arith.index_cast %get3A_246 : i32 to index
    %get3A_249 = arith.constant 48 : index
    %get3A_250 = tpu.vector_load %arg5[%get3A_247, %get3A_248, %get3A_249] {strides = array<i32>} : memref<4x2x128xi32, #tpu.memory_space<vmem>>, vector<1x1x16xi32>,
    %get3A_251 = vector.shape_cast %get3A_250 : vector<1x1x16xi32> to vector<16xi32>
    %mul3A_252 = arith.constant 1000 : i32
    %mul3A_253 = vector.broadcast %mul3A_252 : i32 to vector<16xi32>
    %mul3A_254 = arith.muli %get3A_251, %mul3A_253 : vector<16xi32>
    %get3A_255 = arith.constant 1 : i32
    %get3A_256 = arith.constant 1 : i32
    %get3A_257 = arith.index_cast %get3A_255 : i32 to index
    %get3A_258 = arith.index_cast %get3A_256 : i32 to index
    %get3A_259 = arith.constant 48 : index
    %get3A_260 = tpu.vector_load %arg5[%get3A_257, %get3A_258, %get3A_259] {strides = array<i32>} : memref<4x2x128xi32, #tpu.memory_space<vmem>>, vector<1x1x16xi32>,
    %get3A_261 = vector.shape_cast %get3A_260 : vector<1x1x16xi32> to vector<16xi32>
    %add3A_262 = arith.addi %mul3A_254, %get3A_261 : vector<16xi32>
    %swap3A_263 = arith.constant 176 : index
    %swap3A_264 = tpu.vector_load %arg6[%swap3A_263] {strides = array<i32>} : memref<512xi32, #tpu.memory_space<vmem>>, vector<16xi32>,
    %swap3A_265 = vector.shape_cast %swap3A_264 : vector<16xi32> to vector<16xi32>
    %swap3A_266 = vector.shape_cast %add3A_262 : vector<16xi32> to vector<16xi32>
    tpu.vector_store %arg6[%swap3A_263], %swap3A_266 {strides = array<i32>} : memref<512xi32, #tpu.memory_space<vmem>>, vector<16xi32>,
    %get3A_267 = arith.constant 1 : i32
    %get3A_268 = arith.constant 0 : i32
    %get3A_269 = arith.index_cast %get3A_267 : i32 to index
    %get3A_270 = arith.index_cast %get3A_268 : i32 to index
    %get3A_271 = arith.constant 64 : index
    %get3A_272 = tpu.vector_load %arg5[%get3A_269, %get3A_270, %get3A_271] {strides = array<i32>} : memref<4x2x128xi32, #tpu.memory_space<vmem>>, vector<1x1x16xi32>,
    %get3A_273 = vector.shape_cast %get3A_272 : vector<1x1x16xi32> to vector<16xi32>
    %mul3A_274 = arith.constant 1000 : i32
    %mul3A_275 = vector.broadcast %mul3A_274 : i32 to vector<16xi32>
    %mul3A_276 = arith.muli %get3A_273, %mul3A_275 : vector<16xi32>
    %get3A_277 = arith.constant 1 : i32
    %get3A_278 = arith.constant 1 : i32
    %get3A_279 = arith.index_cast %get3A_277 : i32 to index
    %get3A_280 = arith.index_cast %get3A_278 : i32 to index
    %get3A_281 = arith.constant 64 : index
    %get3A_282 = tpu.vector_load %arg5[%get3A_279, %get3A_280, %get3A_281] {strides = array<i32>} : memref<4x2x128xi32, #tpu.memory_space<vmem>>, vector<1x1x16xi32>,
    %get3A_283 = vector.shape_cast %get3A_282 : vector<1x1x16xi32> to vector<16xi32>
    %add3A_284 = arith.addi %mul3A_276, %get3A_283 : vector<16xi32>
    %swap3A_285 = arith.constant 192 : index
    %swap3A_286 = tpu.vector_load %arg6[%swap3A_285] {strides = array<i32>} : memref<512xi32, #tpu.memory_space<vmem>>, vector<16xi32>,
    %swap3A_287 = vector.shape_cast %swap3A_286 : vector<16xi32> to vector<16xi32>
    %swap3A_288 = vector.shape_cast %add3A_284 : vector<16xi32> to vector<16xi32>
    tpu.vector_store %arg6[%swap3A_285], %swap3A_288 {strides = array<i32>} : memref<512xi32, #tpu.memory_space<vmem>>, vector<16xi32>,
    %get3A_289 = arith.constant 1 : i32
    %get3A_290 = arith.constant 0 : i32
    %get3A_291 = arith.index_cast %get3A_289 : i32 to index
    %get3A_292 = arith.index_cast %get3A_290 : i32 to index
    %get3A_293 = arith.constant 80 : index
    %get3A_294 = tpu.vector_load %arg5[%get3A_291, %get3A_292, %get3A_293] {strides = array<i32>} : memref<4x2x128xi32, #tpu.memory_space<vmem>>, vector<1x1x16xi32>,
    %get3A_295 = vector.shape_cast %get3A_294 : vector<1x1x16xi32> to vector<16xi32>
    %mul3A_296 = arith.constant 1000 : i32
    %mul3A_297 = vector.broadcast %mul3A_296 : i32 to vector<16xi32>
    %mul3A_298 = arith.muli %get3A_295, %mul3A_297 : vector<16xi32>
    %get3A_299 = arith.constant 1 : i32
    %get3A_300 = arith.constant 1 : i32
    %get3A_301 = arith.index_cast %get3A_299 : i32 to index
    %get3A_302 = arith.index_cast %get3A_300 : i32 to index
    %get3A_303 = arith.constant 80 : index
    %get3A_304 = tpu.vector_load %arg5[%get3A_301, %get3A_302, %get3A_303] {strides = array<i32>} : memref<4x2x128xi32, #tpu.memory_space<vmem>>, vector<1x1x16xi32>,
    %get3A_305 = vector.shape_cast %get3A_304 : vector<1x1x16xi32> to vector<16xi32>
    %add3A_306 = arith.addi %mul3A_298, %get3A_305 : vector<16xi32>
    %swap3A_307 = arith.constant 208 : index
    %swap3A_308 = tpu.vector_load %arg6[%swap3A_307] {strides = array<i32>} : memref<512xi32, #tpu.memory_space<vmem>>, vector<16xi32>,
    %swap3A_309 = vector.shape_cast %swap3A_308 : vector<16xi32> to vector<16xi32>
    %swap3A_310 = vector.shape_cast %add3A_306 : vector<16xi32> to vector<16xi32>
    tpu.vector_store %arg6[%swap3A_307], %swap3A_310 {strides = array<i32>} : memref<512xi32, #tpu.memory_space<vmem>>, vector<16xi32>,
    %get3A_311 = arith.constant 1 : i32
    %get3A_312 = arith.constant 0 : i32
    %get3A_313 = arith.index_cast %get3A_311 : i32 to index
    %get3A_314 = arith.index_cast %get3A_312 : i32 to index
    %get3A_315 = arith.constant 96 : index
    %get3A_316 = tpu.vector_load %arg5[%get3A_313, %get3A_314, %get3A_315] {strides = array<i32>} : memref<4x2x128xi32, #tpu.memory_space<vmem>>, vector<1x1x16xi32>,
    %get3A_317 = vector.shape_cast %get3A_316 : vector<1x1x16xi32> to vector<16xi32>
    %mul3A_318 = arith.constant 1000 : i32
    %mul3A_319 = vector.broadcast %mul3A_318 : i32 to vector<16xi32>
    %mul3A_320 = arith.muli %get3A_317, %mul3A_319 : vector<16xi32>
    %get3A_321 = arith.constant 1 : i32
    %get3A_322 = arith.constant 1 : i32
    %get3A_323 = arith.index_cast %get3A_321 : i32 to index
    %get3A_324 = arith.index_cast %get3A_322 : i32 to index
    %get3A_325 = arith.constant 96 : index
    %get3A_326 = tpu.vector_load %arg5[%get3A_323, %get3A_324, %get3A_325] {strides = array<i32>} : memref<4x2x128xi32, #tpu.memory_space<vmem>>, vector<1x1x16xi32>,
    %get3A_327 = vector.shape_cast %get3A_326 : vector<1x1x16xi32> to vector<16xi32>
    %add3A_328 = arith.addi %mul3A_320, %get3A_327 : vector<16xi32>
    %swap3A_329 = arith.constant 224 : index
    %swap3A_330 = tpu.vector_load %arg6[%swap3A_329] {strides = array<i32>} : memref<512xi32, #tpu.memory_space<vmem>>, vector<16xi32>,
    %swap3A_331 = vector.shape_cast %swap3A_330 : vector<16xi32> to vector<16xi32>
    %swap3A_332 = vector.shape_cast %add3A_328 : vector<16xi32> to vector<16xi32>
    tpu.vector_store %arg6[%swap3A_329], %swap3A_332 {strides = array<i32>} : memref<512xi32, #tpu.memory_space<vmem>>, vector<16xi32>,
    %get3A_333 = arith.constant 1 : i32
    %get3A_334 = arith.constant 0 : i32
    %get3A_335 = arith.index_cast %get3A_333 : i32 to index
    %get3A_336 = arith.index_cast %get3A_334 : i32 to index
    %get3A_337 = arith.constant 112 : index
    %get3A_338 = tpu.vector_load %arg5[%get3A_335, %get3A_336, %get3A_337] {strides = array<i32>} : memref<4x2x128xi32, #tpu.memory_space<vmem>>, vector<1x1x16xi32>,
    %get3A_339 = vector.shape_cast %get3A_338 : vector<1x1x16xi32> to vector<16xi32>
    %mul3A_340 = arith.constant 1000 : i32
    %mul3A_341 = vector.broadcast %mul3A_340 : i32 to vector<16xi32>
    %mul3A_342 = arith.muli %get3A_339, %mul3A_341 : vector<16xi32>
    %get3A_343 = arith.constant 1 : i32
    %get3A_344 = arith.constant 1 : i32
    %get3A_345 = arith.index_cast %get3A_343 : i32 to index
    %get3A_346 = arith.index_cast %get3A_344 : i32 to index
    %get3A_347 = arith.constant 112 : index
    %get3A_348 = tpu.vector_load %arg5[%get3A_345, %get3A_346, %get3A_347] {strides = array<i32>} : memref<4x2x128xi32, #tpu.memory_space<vmem>>, vector<1x1x16xi32>,
    %get3A_349 = vector.shape_cast %get3A_348 : vector<1x1x16xi32> to vector<16xi32>
    %add3A_350 = arith.addi %mul3A_342, %get3A_349 : vector<16xi32>
    %swap3A_351 = arith.constant 240 : index
    %swap3A_352 = tpu.vector_load %arg6[%swap3A_351] {strides = array<i32>} : memref<512xi32, #tpu.memory_space<vmem>>, vector<16xi32>,
    %swap3A_353 = vector.shape_cast %swap3A_352 : vector<16xi32> to vector<16xi32>
    %swap3A_354 = vector.shape_cast %add3A_350 : vector<16xi32> to vector<16xi32>
    tpu.vector_store %arg6[%swap3A_351], %swap3A_354 {strides = array<i32>} : memref<512xi32, #tpu.memory_space<vmem>>, vector<16xi32>,
    %get3A_355 = arith.constant 2 : i32
    %get3A_356 = arith.constant 0 : i32
    %get3A_357 = arith.index_cast %get3A_355 : i32 to index
    %get3A_358 = arith.index_cast %get3A_356 : i32 to index
    %get3A_359 = arith.constant 0 : index
    %get3A_360 = tpu.vector_load %arg5[%get3A_357, %get3A_358, %get3A_359] {strides = array<i32>} : memref<4x2x128xi32, #tpu.memory_space<vmem>>, vector<1x1x16xi32>,
    %get3A_361 = vector.shape_cast %get3A_360 : vector<1x1x16xi32> to vector<16xi32>
    %mul3A_362 = arith.constant 1000 : i32
    %mul3A_363 = vector.broadcast %mul3A_362 : i32 to vector<16xi32>
    %mul3A_364 = arith.muli %get3A_361, %mul3A_363 : vector<16xi32>
    %get3A_365 = arith.constant 2 : i32
    %get3A_366 = arith.constant 1 : i32
    %get3A_367 = arith.index_cast %get3A_365 : i32 to index
    %get3A_368 = arith.index_cast %get3A_366 : i32 to index
    %get3A_369 = arith.constant 0 : index
    %get3A_370 = tpu.vector_load %arg5[%get3A_367, %get3A_368, %get3A_369] {strides = array<i32>} : memref<4x2x128xi32, #tpu.memory_space<vmem>>, vector<1x1x16xi32>,
    %get3A_371 = vector.shape_cast %get3A_370 : vector<1x1x16xi32> to vector<16xi32>
    %add3A_372 = arith.addi %mul3A_364, %get3A_371 : vector<16xi32>
    %swap3A_373 = arith.constant 256 : index
    %swap3A_374 = tpu.vector_load %arg6[%swap3A_373] {strides = array<i32>} : memref<512xi32, #tpu.memory_space<vmem>>, vector<16xi32>,
    %swap3A_375 = vector.shape_cast %swap3A_374 : vector<16xi32> to vector<16xi32>
    %swap3A_376 = vector.shape_cast %add3A_372 : vector<16xi32> to vector<16xi32>
    tpu.vector_store %arg6[%swap3A_373], %swap3A_376 {strides = array<i32>} : memref<512xi32, #tpu.memory_space<vmem>>, vector<16xi32>,
    %get3A_377 = arith.constant 2 : i32
    %get3A_378 = arith.constant 0 : i32
    %get3A_379 = arith.index_cast %get3A_377 : i32 to index
    %get3A_380 = arith.index_cast %get3A_378 : i32 to index
    %get3A_381 = arith.constant 16 : index
    %get3A_382 = tpu.vector_load %arg5[%get3A_379, %get3A_380, %get3A_381] {strides = array<i32>} : memref<4x2x128xi32, #tpu.memory_space<vmem>>, vector<1x1x16xi32>,
    %get3A_383 = vector.shape_cast %get3A_382 : vector<1x1x16xi32> to vector<16xi32>
    %mul3A_384 = arith.constant 1000 : i32
    %mul3A_385 = vector.broadcast %mul3A_384 : i32 to vector<16xi32>
    %mul3A_386 = arith.muli %get3A_383, %mul3A_385 : vector<16xi32>
    %get3A_387 = arith.constant 2 : i32
    %get3A_388 = arith.constant 1 : i32
    %get3A_389 = arith.index_cast %get3A_387 : i32 to index
    %get3A_390 = arith.index_cast %get3A_388 : i32 to index
    %get3A_391 = arith.constant 16 : index
    %get3A_392 = tpu.vector_load %arg5[%get3A_389, %get3A_390, %get3A_391] {strides = array<i32>} : memref<4x2x128xi32, #tpu.memory_space<vmem>>, vector<1x1x16xi32>,
    %get3A_393 = vector.shape_cast %get3A_392 : vector<1x1x16xi32> to vector<16xi32>
    %add3A_394 = arith.addi %mul3A_386, %get3A_393 : vector<16xi32>
    %swap3A_395 = arith.constant 272 : index
    %swap3A_396 = tpu.vector_load %arg6[%swap3A_395] {strides = array<i32>} : memref<512xi32, #tpu.memory_space<vmem>>, vector<16xi32>,
    %swap3A_397 = vector.shape_cast %swap3A_396 : vector<16xi32> to vector<16xi32>
    %swap3A_398 = vector.shape_cast %add3A_394 : vector<16xi32> to vector<16xi32>
    tpu.vector_store %arg6[%swap3A_395], %swap3A_398 {strides = array<i32>} : memref<512xi32, #tpu.memory_space<vmem>>, vector<16xi32>,
    %get3A_399 = arith.constant 2 : i32
    %get3A_400 = arith.constant 0 : i32
    %get3A_401 = arith.index_cast %get3A_399 : i32 to index
    %get3A_402 = arith.index_cast %get3A_400 : i32 to index
    %get3A_403 = arith.constant 32 : index
    %get3A_404 = tpu.vector_load %arg5[%get3A_401, %get3A_402, %get3A_403] {strides = array<i32>} : memref<4x2x128xi32, #tpu.memory_space<vmem>>, vector<1x1x16xi32>,
    %get3A_405 = vector.shape_cast %get3A_404 : vector<1x1x16xi32> to vector<16xi32>
    %mul3A_406 = arith.constant 1000 : i32
    %mul3A_407 = vector.broadcast %mul3A_406 : i32 to vector<16xi32>
    %mul3A_408 = arith.muli %get3A_405, %mul3A_407 : vector<16xi32>
    %get3A_409 = arith.constant 2 : i32
    %get3A_410 = arith.constant 1 : i32
    %get3A_411 = arith.index_cast %get3A_409 : i32 to index
    %get3A_412 = arith.index_cast %get3A_410 : i32 to index
    %get3A_413 = arith.constant 32 : index
    %get3A_414 = tpu.vector_load %arg5[%get3A_411, %get3A_412, %get3A_413] {strides = array<i32>} : memref<4x2x128xi32, #tpu.memory_space<vmem>>, vector<1x1x16xi32>,
    %get3A_415 = vector.shape_cast %get3A_414 : vector<1x1x16xi32> to vector<16xi32>
    %add3A_416 = arith.addi %mul3A_408, %get3A_415 : vector<16xi32>
    %swap3A_417 = arith.constant 288 : index
    %swap3A_418 = tpu.vector_load %arg6[%swap3A_417] {strides = array<i32>} : memref<512xi32, #tpu.memory_space<vmem>>, vector<16xi32>,
    %swap3A_419 = vector.shape_cast %swap3A_418 : vector<16xi32> to vector<16xi32>
    %swap3A_420 = vector.shape_cast %add3A_416 : vector<16xi32> to vector<16xi32>
    tpu.vector_store %arg6[%swap3A_417], %swap3A_420 {strides = array<i32>} : memref<512xi32, #tpu.memory_space<vmem>>, vector<16xi32>,
    %get3A_421 = arith.constant 2 : i32
    %get3A_422 = arith.constant 0 : i32
    %get3A_423 = arith.index_cast %get3A_421 : i32 to index
    %get3A_424 = arith.index_cast %get3A_422 : i32 to index
    %get3A_425 = arith.constant 48 : index
    %get3A_426 = tpu.vector_load %arg5[%get3A_423, %get3A_424, %get3A_425] {strides = array<i32>} : memref<4x2x128xi32, #tpu.memory_space<vmem>>, vector<1x1x16xi32>,
    %get3A_427 = vector.shape_cast %get3A_426 : vector<1x1x16xi32> to vector<16xi32>
    %mul3A_428 = arith.constant 1000 : i32
    %mul3A_429 = vector.broadcast %mul3A_428 : i32 to vector<16xi32>
    %mul3A_430 = arith.muli %get3A_427, %mul3A_429 : vector<16xi32>
    %get3A_431 = arith.constant 2 : i32
    %get3A_432 = arith.constant 1 : i32
    %get3A_433 = arith.index_cast %get3A_431 : i32 to index
    %get3A_434 = arith.index_cast %get3A_432 : i32 to index
    %get3A_435 = arith.constant 48 : index
    %get3A_436 = tpu.vector_load %arg5[%get3A_433, %get3A_434, %get3A_435] {strides = array<i32>} : memref<4x2x128xi32, #tpu.memory_space<vmem>>, vector<1x1x16xi32>,
    %get3A_437 = vector.shape_cast %get3A_436 : vector<1x1x16xi32> to vector<16xi32>
    %add3A_438 = arith.addi %mul3A_430, %get3A_437 : vector<16xi32>
    %swap3A_439 = arith.constant 304 : index
    %swap3A_440 = tpu.vector_load %arg6[%swap3A_439] {strides = array<i32>} : memref<512xi32, #tpu.memory_space<vmem>>, vector<16xi32>,
    %swap3A_441 = vector.shape_cast %swap3A_440 : vector<16xi32> to vector<16xi32>
    %swap3A_442 = vector.shape_cast %add3A_438 : vector<16xi32> to vector<16xi32>
    tpu.vector_store %arg6[%swap3A_439], %swap3A_442 {strides = array<i32>} : memref<512xi32, #tpu.memory_space<vmem>>, vector<16xi32>,
    %get3A_443 = arith.constant 2 : i32
    %get3A_444 = arith.constant 0 : i32
    %get3A_445 = arith.index_cast %get3A_443 : i32 to index
    %get3A_446 = arith.index_cast %get3A_444 : i32 to index
    %get3A_447 = arith.constant 64 : index
    %get3A_448 = tpu.vector_load %arg5[%get3A_445, %get3A_446, %get3A_447] {strides = array<i32>} : memref<4x2x128xi32, #tpu.memory_space<vmem>>, vector<1x1x16xi32>,
    %get3A_449 = vector.shape_cast %get3A_448 : vector<1x1x16xi32> to vector<16xi32>
    %mul3A_450 = arith.constant 1000 : i32
    %mul3A_451 = vector.broadcast %mul3A_450 : i32 to vector<16xi32>
    %mul3A_452 = arith.muli %get3A_449, %mul3A_451 : vector<16xi32>
    %get3A_453 = arith.constant 2 : i32
    %get3A_454 = arith.constant 1 : i32
    %get3A_455 = arith.index_cast %get3A_453 : i32 to index
    %get3A_456 = arith.index_cast %get3A_454 : i32 to index
    %get3A_457 = arith.constant 64 : index
    %get3A_458 = tpu.vector_load %arg5[%get3A_455, %get3A_456, %get3A_457] {strides = array<i32>} : memref<4x2x128xi32, #tpu.memory_space<vmem>>, vector<1x1x16xi32>,
    %get3A_459 = vector.shape_cast %get3A_458 : vector<1x1x16xi32> to vector<16xi32>
    %add3A_460 = arith.addi %mul3A_452, %get3A_459 : vector<16xi32>
    %swap3A_461 = arith.constant 320 : index
    %swap3A_462 = tpu.vector_load %arg6[%swap3A_461] {strides = array<i32>} : memref<512xi32, #tpu.memory_space<vmem>>, vector<16xi32>,
    %swap3A_463 = vector.shape_cast %swap3A_462 : vector<16xi32> to vector<16xi32>
    %swap3A_464 = vector.shape_cast %add3A_460 : vector<16xi32> to vector<16xi32>
    tpu.vector_store %arg6[%swap3A_461], %swap3A_464 {strides = array<i32>} : memref<512xi32, #tpu.memory_space<vmem>>, vector<16xi32>,
    %get3A_465 = arith.constant 2 : i32
    %get3A_466 = arith.constant 0 : i32
    %get3A_467 = arith.index_cast %get3A_465 : i32 to index
    %get3A_468 = arith.index_cast %get3A_466 : i32 to index
    %get3A_469 = arith.constant 80 : index
    %get3A_470 = tpu.vector_load %arg5[%get3A_467, %get3A_468, %get3A_469] {strides = array<i32>} : memref<4x2x128xi32, #tpu.memory_space<vmem>>, vector<1x1x16xi32>,
    %get3A_471 = vector.shape_cast %get3A_470 : vector<1x1x16xi32> to vector<16xi32>
    %mul3A_472 = arith.constant 1000 : i32
    %mul3A_473 = vector.broadcast %mul3A_472 : i32 to vector<16xi32>
    %mul3A_474 = arith.muli %get3A_471, %mul3A_473 : vector<16xi32>
    %get3A_475 = arith.constant 2 : i32
    %get3A_476 = arith.constant 1 : i32
    %get3A_477 = arith.index_cast %get3A_475 : i32 to index
    %get3A_478 = arith.index_cast %get3A_476 : i32 to index
    %get3A_479 = arith.constant 80 : index
    %get3A_480 = tpu.vector_load %arg5[%get3A_477, %get3A_478, %get3A_479] {strides = array<i32>} : memref<4x2x128xi32, #tpu.memory_space<vmem>>, vector<1x1x16xi32>,
    %get3A_481 = vector.shape_cast %get3A_480 : vector<1x1x16xi32> to vector<16xi32>
    %add3A_482 = arith.addi %mul3A_474, %get3A_481 : vector<16xi32>
    %swap3A_483 = arith.constant 336 : index
    %swap3A_484 = tpu.vector_load %arg6[%swap3A_483] {strides = array<i32>} : memref<512xi32, #tpu.memory_space<vmem>>, vector<16xi32>,
    %swap3A_485 = vector.shape_cast %swap3A_484 : vector<16xi32> to vector<16xi32>
    %swap3A_486 = vector.shape_cast %add3A_482 : vector<16xi32> to vector<16xi32>
    tpu.vector_store %arg6[%swap3A_483], %swap3A_486 {strides = array<i32>} : memref<512xi32, #tpu.memory_space<vmem>>, vector<16xi32>,
    %get3A_487 = arith.constant 2 : i32
    %get3A_488 = arith.constant 0 : i32
    %get3A_489 = arith.index_cast %get3A_487 : i32 to index
    %get3A_490 = arith.index_cast %get3A_488 : i32 to index
    %get3A_491 = arith.constant 96 : index
    %get3A_492 = tpu.vector_load %arg5[%get3A_489, %get3A_490, %get3A_491] {strides = array<i32>} : memref<4x2x128xi32, #tpu.memory_space<vmem>>, vector<1x1x16xi32>,
    %get3A_493 = vector.shape_cast %get3A_492 : vector<1x1x16xi32> to vector<16xi32>
    %mul3A_494 = arith.constant 1000 : i32
    %mul3A_495 = vector.broadcast %mul3A_494 : i32 to vector<16xi32>
    %mul3A_496 = arith.muli %get3A_493, %mul3A_495 : vector<16xi32>
    %get3A_497 = arith.constant 2 : i32
    %get3A_498 = arith.constant 1 : i32
    %get3A_499 = arith.index_cast %get3A_497 : i32 to index
    %get3A_500 = arith.index_cast %get3A_498 : i32 to index
    %get3A_501 = arith.constant 96 : index
    %get3A_502 = tpu.vector_load %arg5[%get3A_499, %get3A_500, %get3A_501] {strides = array<i32>} : memref<4x2x128xi32, #tpu.memory_space<vmem>>, vector<1x1x16xi32>,
    %get3A_503 = vector.shape_cast %get3A_502 : vector<1x1x16xi32> to vector<16xi32>
    %add3A_504 = arith.addi %mul3A_496, %get3A_503 : vector<16xi32>
    %swap3A_505 = arith.constant 352 : index
    %swap3A_506 = tpu.vector_load %arg6[%swap3A_505] {strides = array<i32>} : memref<512xi32, #tpu.memory_space<vmem>>, vector<16xi32>,
    %swap3A_507 = vector.shape_cast %swap3A_506 : vector<16xi32> to vector<16xi32>
    %swap3A_508 = vector.shape_cast %add3A_504 : vector<16xi32> to vector<16xi32>
    tpu.vector_store %arg6[%swap3A_505], %swap3A_508 {strides = array<i32>} : memref<512xi32, #tpu.memory_space<vmem>>, vector<16xi32>,
    %get3A_509 = arith.constant 2 : i32
    %get3A_510 = arith.constant 0 : i32
    %get3A_511 = arith.index_cast %get3A_509 : i32 to index
    %get3A_512 = arith.index_cast %get3A_510 : i32 to index
    %get3A_513 = arith.constant 112 : index
    %get3A_514 = tpu.vector_load %arg5[%get3A_511, %get3A_512, %get3A_513] {strides = array<i32>} : memref<4x2x128xi32, #tpu.memory_space<vmem>>, vector<1x1x16xi32>,
    %get3A_515 = vector.shape_cast %get3A_514 : vector<1x1x16xi32> to vector<16xi32>
    %mul3A_516 = arith.constant 1000 : i32
    %mul3A_517 = vector.broadcast %mul3A_516 : i32 to vector<16xi32>
    %mul3A_518 = arith.muli %get3A_515, %mul3A_517 : vector<16xi32>
    %get3A_519 = arith.constant 2 : i32
    %get3A_520 = arith.constant 1 : i32
    %get3A_521 = arith.index_cast %get3A_519 : i32 to index
    %get3A_522 = arith.index_cast %get3A_520 : i32 to index
    %get3A_523 = arith.constant 112 : index
    %get3A_524 = tpu.vector_load %arg5[%get3A_521, %get3A_522, %get3A_523] {strides = array<i32>} : memref<4x2x128xi32, #tpu.memory_space<vmem>>, vector<1x1x16xi32>,
    %get3A_525 = vector.shape_cast %get3A_524 : vector<1x1x16xi32> to vector<16xi32>
    %add3A_526 = arith.addi %mul3A_518, %get3A_525 : vector<16xi32>
    %swap3A_527 = arith.constant 368 : index
    %swap3A_528 = tpu.vector_load %arg6[%swap3A_527] {strides = array<i32>} : memref<512xi32, #tpu.memory_space<vmem>>, vector<16xi32>,
    %swap3A_529 = vector.shape_cast %swap3A_528 : vector<16xi32> to vector<16xi32>
    %swap3A_530 = vector.shape_cast %add3A_526 : vector<16xi32> to vector<16xi32>
    tpu.vector_store %arg6[%swap3A_527], %swap3A_530 {strides = array<i32>} : memref<512xi32, #tpu.memory_space<vmem>>, vector<16xi32>,
    %get3A_531 = arith.constant 3 : i32
    %get3A_532 = arith.constant 0 : i32
    %get3A_533 = arith.index_cast %get3A_531 : i32 to index
    %get3A_534 = arith.index_cast %get3A_532 : i32 to index
    %get3A_535 = arith.constant 0 : index
    %get3A_536 = tpu.vector_load %arg5[%get3A_533, %get3A_534, %get3A_535] {strides = array<i32>} : memref<4x2x128xi32, #tpu.memory_space<vmem>>, vector<1x1x16xi32>,
    %get3A_537 = vector.shape_cast %get3A_536 : vector<1x1x16xi32> to vector<16xi32>
    %mul3A_538 = arith.constant 1000 : i32
    %mul3A_539 = vector.broadcast %mul3A_538 : i32 to vector<16xi32>
    %mul3A_540 = arith.muli %get3A_537, %mul3A_539 : vector<16xi32>
    %get3A_541 = arith.constant 3 : i32
    %get3A_542 = arith.constant 1 : i32
    %get3A_543 = arith.index_cast %get3A_541 : i32 to index
    %get3A_544 = arith.index_cast %get3A_542 : i32 to index
    %get3A_545 = arith.constant 0 : index
    %get3A_546 = tpu.vector_load %arg5[%get3A_543, %get3A_544, %get3A_545] {strides = array<i32>} : memref<4x2x128xi32, #tpu.memory_space<vmem>>, vector<1x1x16xi32>,
    %get3A_547 = vector.shape_cast %get3A_546 : vector<1x1x16xi32> to vector<16xi32>
    %add3A_548 = arith.addi %mul3A_540, %get3A_547 : vector<16xi32>
    %swap3A_549 = arith.constant 384 : index
    %swap3A_550 = tpu.vector_load %arg6[%swap3A_549] {strides = array<i32>} : memref<512xi32, #tpu.memory_space<vmem>>, vector<16xi32>,
    %swap3A_551 = vector.shape_cast %swap3A_550 : vector<16xi32> to vector<16xi32>
    %swap3A_552 = vector.shape_cast %add3A_548 : vector<16xi32> to vector<16xi32>
    tpu.vector_store %arg6[%swap3A_549], %swap3A_552 {strides = array<i32>} : memref<512xi32, #tpu.memory_space<vmem>>, vector<16xi32>,
    %get3A_553 = arith.constant 3 : i32
    %get3A_554 = arith.constant 0 : i32
    %get3A_555 = arith.index_cast %get3A_553 : i32 to index
    %get3A_556 = arith.index_cast %get3A_554 : i32 to index
    %get3A_557 = arith.constant 16 : index
    %get3A_558 = tpu.vector_load %arg5[%get3A_555, %get3A_556, %get3A_557] {strides = array<i32>} : memref<4x2x128xi32, #tpu.memory_space<vmem>>, vector<1x1x16xi32>,
    %get3A_559 = vector.shape_cast %get3A_558 : vector<1x1x16xi32> to vector<16xi32>
    %mul3A_560 = arith.constant 1000 : i32
    %mul3A_561 = vector.broadcast %mul3A_560 : i32 to vector<16xi32>
    %mul3A_562 = arith.muli %get3A_559, %mul3A_561 : vector<16xi32>
    %get3A_563 = arith.constant 3 : i32
    %get3A_564 = arith.constant 1 : i32
    %get3A_565 = arith.index_cast %get3A_563 : i32 to index
    %get3A_566 = arith.index_cast %get3A_564 : i32 to index
    %get3A_567 = arith.constant 16 : index
    %get3A_568 = tpu.vector_load %arg5[%get3A_565, %get3A_566, %get3A_567] {strides = array<i32>} : memref<4x2x128xi32, #tpu.memory_space<vmem>>, vector<1x1x16xi32>,
    %get3A_569 = vector.shape_cast %get3A_568 : vector<1x1x16xi32> to vector<16xi32>
    %add3A_570 = arith.addi %mul3A_562, %get3A_569 : vector<16xi32>
    %swap3A_571 = arith.constant 400 : index
    %swap3A_572 = tpu.vector_load %arg6[%swap3A_571] {strides = array<i32>} : memref<512xi32, #tpu.memory_space<vmem>>, vector<16xi32>,
    %swap3A_573 = vector.shape_cast %swap3A_572 : vector<16xi32> to vector<16xi32>
    %swap3A_574 = vector.shape_cast %add3A_570 : vector<16xi32> to vector<16xi32>
    tpu.vector_store %arg6[%swap3A_571], %swap3A_574 {strides = array<i32>} : memref<512xi32, #tpu.memory_space<vmem>>, vector<16xi32>,
    %get3A_575 = arith.constant 3 : i32
    %get3A_576 = arith.constant 0 : i32
    %get3A_577 = arith.index_cast %get3A_575 : i32 to index
    %get3A_578 = arith.index_cast %get3A_576 : i32 to index
    %get3A_579 = arith.constant 32 : index
    %get3A_580 = tpu.vector_load %arg5[%get3A_577, %get3A_578, %get3A_579] {strides = array<i32>} : memref<4x2x128xi32, #tpu.memory_space<vmem>>, vector<1x1x16xi32>,
    %get3A_581 = vector.shape_cast %get3A_580 : vector<1x1x16xi32> to vector<16xi32>
    %mul3A_582 = arith.constant 1000 : i32
    %mul3A_583 = vector.broadcast %mul3A_582 : i32 to vector<16xi32>
    %mul3A_584 = arith.muli %get3A_581, %mul3A_583 : vector<16xi32>
    %get3A_585 = arith.constant 3 : i32
    %get3A_586 = arith.constant 1 : i32
    %get3A_587 = arith.index_cast %get3A_585 : i32 to index
    %get3A_588 = arith.index_cast %get3A_586 : i32 to index
    %get3A_589 = arith.constant 32 : index
    %get3A_590 = tpu.vector_load %arg5[%get3A_587, %get3A_588, %get3A_589] {strides = array<i32>} : memref<4x2x128xi32, #tpu.memory_space<vmem>>, vector<1x1x16xi32>,
    %get3A_591 = vector.shape_cast %get3A_590 : vector<1x1x16xi32> to vector<16xi32>
    %add3A_592 = arith.addi %mul3A_584, %get3A_591 : vector<16xi32>
    %swap3A_593 = arith.constant 416 : index
    %swap3A_594 = tpu.vector_load %arg6[%swap3A_593] {strides = array<i32>} : memref<512xi32, #tpu.memory_space<vmem>>, vector<16xi32>,
    %swap3A_595 = vector.shape_cast %swap3A_594 : vector<16xi32> to vector<16xi32>
    %swap3A_596 = vector.shape_cast %add3A_592 : vector<16xi32> to vector<16xi32>
    tpu.vector_store %arg6[%swap3A_593], %swap3A_596 {strides = array<i32>} : memref<512xi32, #tpu.memory_space<vmem>>, vector<16xi32>,
    %get3A_597 = arith.constant 3 : i32
    %get3A_598 = arith.constant 0 : i32
    %get3A_599 = arith.index_cast %get3A_597 : i32 to index
    %get3A_600 = arith.index_cast %get3A_598 : i32 to index
    %get3A_601 = arith.constant 48 : index
    %get3A_602 = tpu.vector_load %arg5[%get3A_599, %get3A_600, %get3A_601] {strides = array<i32>} : memref<4x2x128xi32, #tpu.memory_space<vmem>>, vector<1x1x16xi32>,
    %get3A_603 = vector.shape_cast %get3A_602 : vector<1x1x16xi32> to vector<16xi32>
    %mul3A_604 = arith.constant 1000 : i32
    %mul3A_605 = vector.broadcast %mul3A_604 : i32 to vector<16xi32>
    %mul3A_606 = arith.muli %get3A_603, %mul3A_605 : vector<16xi32>
    %get3A_607 = arith.constant 3 : i32
    %get3A_608 = arith.constant 1 : i32
    %get3A_609 = arith.index_cast %get3A_607 : i32 to index
    %get3A_610 = arith.index_cast %get3A_608 : i32 to index
    %get3A_611 = arith.constant 48 : index
    %get3A_612 = tpu.vector_load %arg5[%get3A_609, %get3A_610, %get3A_611] {strides = array<i32>} : memref<4x2x128xi32, #tpu.memory_space<vmem>>, vector<1x1x16xi32>,
    %get3A_613 = vector.shape_cast %get3A_612 : vector<1x1x16xi32> to vector<16xi32>
    %add3A_614 = arith.addi %mul3A_606, %get3A_613 : vector<16xi32>
    %swap3A_615 = arith.constant 432 : index
    %swap3A_616 = tpu.vector_load %arg6[%swap3A_615] {strides = array<i32>} : memref<512xi32, #tpu.memory_space<vmem>>, vector<16xi32>,
    %swap3A_617 = vector.shape_cast %swap3A_616 : vector<16xi32> to vector<16xi32>
    %swap3A_618 = vector.shape_cast %add3A_614 : vector<16xi32> to vector<16xi32>
    tpu.vector_store %arg6[%swap3A_615], %swap3A_618 {strides = array<i32>} : memref<512xi32, #tpu.memory_space<vmem>>, vector<16xi32>,
    %get3A_619 = arith.constant 3 : i32
    %get3A_620 = arith.constant 0 : i32
    %get3A_621 = arith.index_cast %get3A_619 : i32 to index
    %get3A_622 = arith.index_cast %get3A_620 : i32 to index
    %get3A_623 = arith.constant 64 : index
    %get3A_624 = tpu.vector_load %arg5[%get3A_621, %get3A_622, %get3A_623] {strides = array<i32>} : memref<4x2x128xi32, #tpu.memory_space<vmem>>, vector<1x1x16xi32>,
    %get3A_625 = vector.shape_cast %get3A_624 : vector<1x1x16xi32> to vector<16xi32>
    %mul3A_626 = arith.constant 1000 : i32
    %mul3A_627 = vector.broadcast %mul3A_626 : i32 to vector<16xi32>
    %mul3A_628 = arith.muli %get3A_625, %mul3A_627 : vector<16xi32>
    %get3A_629 = arith.constant 3 : i32
    %get3A_630 = arith.constant 1 : i32
    %get3A_631 = arith.index_cast %get3A_629 : i32 to index
    %get3A_632 = arith.index_cast %get3A_630 : i32 to index
    %get3A_633 = arith.constant 64 : index
    %get3A_634 = tpu.vector_load %arg5[%get3A_631, %get3A_632, %get3A_633] {strides = array<i32>} : memref<4x2x128xi32, #tpu.memory_space<vmem>>, vector<1x1x16xi32>,
    %get3A_635 = vector.shape_cast %get3A_634 : vector<1x1x16xi32> to vector<16xi32>
    %add3A_636 = arith.addi %mul3A_628, %get3A_635 : vector<16xi32>
    %swap3A_637 = arith.constant 448 : index
    %swap3A_638 = tpu.vector_load %arg6[%swap3A_637] {strides = array<i32>} : memref<512xi32, #tpu.memory_space<vmem>>, vector<16xi32>,
    %swap3A_639 = vector.shape_cast %swap3A_638 : vector<16xi32> to vector<16xi32>
    %swap3A_640 = vector.shape_cast %add3A_636 : vector<16xi32> to vector<16xi32>
    tpu.vector_store %arg6[%swap3A_637], %swap3A_640 {strides = array<i32>} : memref<512xi32, #tpu.memory_space<vmem>>, vector<16xi32>,
    %get3A_641 = arith.constant 3 : i32
    %get3A_642 = arith.constant 0 : i32
    %get3A_643 = arith.index_cast %get3A_641 : i32 to index
    %get3A_644 = arith.index_cast %get3A_642 : i32 to index
    %get3A_645 = arith.constant 80 : index
    %get3A_646 = tpu.vector_load %arg5[%get3A_643, %get3A_644, %get3A_645] {strides = array<i32>} : memref<4x2x128xi32, #tpu.memory_space<vmem>>, vector<1x1x16xi32>,
    %get3A_647 = vector.shape_cast %get3A_646 : vector<1x1x16xi32> to vector<16xi32>
    %mul3A_648 = arith.constant 1000 : i32
    %mul3A_649 = vector.broadcast %mul3A_648 : i32 to vector<16xi32>
    %mul3A_650 = arith.muli %get3A_647, %mul3A_649 : vector<16xi32>
    %get3A_651 = arith.constant 3 : i32
    %get3A_652 = arith.constant 1 : i32
    %get3A_653 = arith.index_cast %get3A_651 : i32 to index
    %get3A_654 = arith.index_cast %get3A_652 : i32 to index
    %get3A_655 = arith.constant 80 : index
    %get3A_656 = tpu.vector_load %arg5[%get3A_653, %get3A_654, %get3A_655] {strides = array<i32>} : memref<4x2x128xi32, #tpu.memory_space<vmem>>, vector<1x1x16xi32>,
    %get3A_657 = vector.shape_cast %get3A_656 : vector<1x1x16xi32> to vector<16xi32>
    %add3A_658 = arith.addi %mul3A_650, %get3A_657 : vector<16xi32>
    %swap3A_659 = arith.constant 464 : index
    %swap3A_660 = tpu.vector_load %arg6[%swap3A_659] {strides = array<i32>} : memref<512xi32, #tpu.memory_space<vmem>>, vector<16xi32>,
    %swap3A_661 = vector.shape_cast %swap3A_660 : vector<16xi32> to vector<16xi32>
    %swap3A_662 = vector.shape_cast %add3A_658 : vector<16xi32> to vector<16xi32>
    tpu.vector_store %arg6[%swap3A_659], %swap3A_662 {strides = array<i32>} : memref<512xi32, #tpu.memory_space<vmem>>, vector<16xi32>,
    %get3A_663 = arith.constant 3 : i32
    %get3A_664 = arith.constant 0 : i32
    %get3A_665 = arith.index_cast %get3A_663 : i32 to index
    %get3A_666 = arith.index_cast %get3A_664 : i32 to index
    %get3A_667 = arith.constant 96 : index
    %get3A_668 = tpu.vector_load %arg5[%get3A_665, %get3A_666, %get3A_667] {strides = array<i32>} : memref<4x2x128xi32, #tpu.memory_space<vmem>>, vector<1x1x16xi32>,
    %get3A_669 = vector.shape_cast %get3A_668 : vector<1x1x16xi32> to vector<16xi32>
    %mul3A_670 = arith.constant 1000 : i32
    %mul3A_671 = vector.broadcast %mul3A_670 : i32 to vector<16xi32>
    %mul3A_672 = arith.muli %get3A_669, %mul3A_671 : vector<16xi32>
    %get3A_673 = arith.constant 3 : i32
    %get3A_674 = arith.constant 1 : i32
    %get3A_675 = arith.index_cast %get3A_673 : i32 to index
    %get3A_676 = arith.index_cast %get3A_674 : i32 to index
    %get3A_677 = arith.constant 96 : index
    %get3A_678 = tpu.vector_load %arg5[%get3A_675, %get3A_676, %get3A_677] {strides = array<i32>} : memref<4x2x128xi32, #tpu.memory_space<vmem>>, vector<1x1x16xi32>,
    %get3A_679 = vector.shape_cast %get3A_678 : vector<1x1x16xi32> to vector<16xi32>
    %add3A_680 = arith.addi %mul3A_672, %get3A_679 : vector<16xi32>
    %swap3A_681 = arith.constant 480 : index
    %swap3A_682 = tpu.vector_load %arg6[%swap3A_681] {strides = array<i32>} : memref<512xi32, #tpu.memory_space<vmem>>, vector<16xi32>,
    %swap3A_683 = vector.shape_cast %swap3A_682 : vector<16xi32> to vector<16xi32>
    %swap3A_684 = vector.shape_cast %add3A_680 : vector<16xi32> to vector<16xi32>
    tpu.vector_store %arg6[%swap3A_681], %swap3A_684 {strides = array<i32>} : memref<512xi32, #tpu.memory_space<vmem>>, vector<16xi32>,
    %get3A_685 = arith.constant 3 : i32
    %get3A_686 = arith.constant 0 : i32
    %get3A_687 = arith.index_cast %get3A_685 : i32 to index
    %get3A_688 = arith.index_cast %get3A_686 : i32 to index
    %get3A_689 = arith.constant 112 : index
    %get3A_690 = tpu.vector_load %arg5[%get3A_687, %get3A_688, %get3A_689] {strides = array<i32>} : memref<4x2x128xi32, #tpu.memory_space<vmem>>, vector<1x1x16xi32>,
    %get3A_691 = vector.shape_cast %get3A_690 : vector<1x1x16xi32> to vector<16xi32>
    %mul3A_692 = arith.constant 1000 : i32
    %mul3A_693 = vector.broadcast %mul3A_692 : i32 to vector<16xi32>
    %mul3A_694 = arith.muli %get3A_691, %mul3A_693 : vector<16xi32>
    %get3A_695 = arith.constant 3 : i32
    %get3A_696 = arith.constant 1 : i32
    %get3A_697 = arith.index_cast %get3A_695 : i32 to index
    %get3A_698 = arith.index_cast %get3A_696 : i32 to index
    %get3A_699 = arith.constant 112 : index
    %get3A_700 = tpu.vector_load %arg5[%get3A_697, %get3A_698, %get3A_699] {strides = array<i32>} : memref<4x2x128xi32, #tpu.memory_space<vmem>>, vector<1x1x16xi32>,
    %get3A_701 = vector.shape_cast %get3A_700 : vector<1x1x16xi32> to vector<16xi32>
    %add3A_702 = arith.addi %mul3A_694, %get3A_701 : vector<16xi32>
    %swap3A_703 = arith.constant 496 : index
    %swap3A_704 = tpu.vector_load %arg6[%swap3A_703] {strides = array<i32>} : memref<512xi32, #tpu.memory_space<vmem>>, vector<16xi32>,
    %swap3A_705 = vector.shape_cast %swap3A_704 : vector<16xi32> to vector<16xi32>
    %swap3A_706 = vector.shape_cast %add3A_702 : vector<16xi32> to vector<16xi32>
    tpu.vector_store %arg6[%swap3A_703], %swap3A_706 {strides = array<i32>} : memref<512xi32, #tpu.memory_space<vmem>>, vector<16xi32>,
    %dma_start3A = arith.constant 0 : i32
    %dma_start3A_707 = tpu.memref_slice %arg7[%dma_start3A] : memref<512xf32, #tpu.memory_space<vmem>> -> memref<128xf32, #tpu.memory_space<vmem>>
    %dma_start3A_708 = arith.constant 0 : i32
    %dma_start3A_709 = tpu.memref_slice %arg6[%dma_start3A_708] : memref<512xi32, #tpu.memory_space<vmem>> -> memref<128xi32, #tpu.memory_space<vmem>>
    %dma_start3A_710 = arith.constant 0 : i32
    %dma_start3A_711 = tpu.memref_slice %arg3[%dma_start3A_710] : memref<1000000xf32, #tpu.memory_space<hbm>> -> memref<1000000xf32, #tpu.memory_space<hbm>>
    tpu.enqueue_indirect_dma source(%dma_start3A_711 : memref<1000000xf32, #tpu.memory_space<hbm>>) target(%dma_start3A_707 : memref<128xf32, #tpu.memory_space<vmem>>) offsets(%dma_start3A_709 : memref<128xi32, #tpu.memory_space<vmem>>) semaphore(%arg8 : memref<!tpu.dma_semaphore, #tpu.memory_space<semaphore_mem>>)
    %dma_start3A_712 = arith.constant 128 : i32
    %dma_start3A_713 = tpu.memref_slice %arg7[%dma_start3A_712] : memref<512xf32, #tpu.memory_space<vmem>> -> memref<128xf32, #tpu.memory_space<vmem>>
    %dma_start3A_714 = arith.constant 128 : i32
    %dma_start3A_715 = tpu.memref_slice %arg6[%dma_start3A_714] : memref<512xi32, #tpu.memory_space<vmem>> -> memref<128xi32, #tpu.memory_space<vmem>>
    %dma_start3A_716 = arith.constant 0 : i32
    %dma_start3A_717 = tpu.memref_slice %arg3[%dma_start3A_716] : memref<1000000xf32, #tpu.memory_space<hbm>> -> memref<1000000xf32, #tpu.memory_space<hbm>>
    tpu.enqueue_indirect_dma source(%dma_start3A_717 : memref<1000000xf32, #tpu.memory_space<hbm>>) target(%dma_start3A_713 : memref<128xf32, #tpu.memory_space<vmem>>) offsets(%dma_start3A_715 : memref<128xi32, #tpu.memory_space<vmem>>) semaphore(%arg8 : memref<!tpu.dma_semaphore, #tpu.memory_space<semaphore_mem>>)
    %dma_start3A_718 = arith.constant 256 : i32
    %dma_start3A_719 = tpu.memref_slice %arg7[%dma_start3A_718] : memref<512xf32, #tpu.memory_space<vmem>> -> memref<128xf32, #tpu.memory_space<vmem>>
    %dma_start3A_720 = arith.constant 256 : i32
    %dma_start3A_721 = tpu.memref_slice %arg6[%dma_start3A_720] : memref<512xi32, #tpu.memory_space<vmem>> -> memref<128xi32, #tpu.memory_space<vmem>>
    %dma_start3A_722 = arith.constant 0 : i32
    %dma_start3A_723 = tpu.memref_slice %arg3[%dma_start3A_722] : memref<1000000xf32, #tpu.memory_space<hbm>> -> memref<1000000xf32, #tpu.memory_space<hbm>>
    tpu.enqueue_indirect_dma source(%dma_start3A_723 : memref<1000000xf32, #tpu.memory_space<hbm>>) target(%dma_start3A_719 : memref<128xf32, #tpu.memory_space<vmem>>) offsets(%dma_start3A_721 : memref<128xi32, #tpu.memory_space<vmem>>) semaphore(%arg8 : memref<!tpu.dma_semaphore, #tpu.memory_space<semaphore_mem>>)
    %dma_start3A_724 = arith.constant 384 : i32
    %dma_start3A_725 = tpu.memref_slice %arg7[%dma_start3A_724] : memref<512xf32, #tpu.memory_space<vmem>> -> memref<128xf32, #tpu.memory_space<vmem>>
    %dma_start3A_726 = arith.constant 384 : i32
    %dma_start3A_727 = tpu.memref_slice %arg6[%dma_start3A_726] : memref<512xi32, #tpu.memory_space<vmem>> -> memref<128xi32, #tpu.memory_space<vmem>>
    %dma_start3A_728 = arith.constant 0 : i32
    %dma_start3A_729 = tpu.memref_slice %arg3[%dma_start3A_728] : memref<1000000xf32, #tpu.memory_space<hbm>> -> memref<1000000xf32, #tpu.memory_space<hbm>>
    tpu.enqueue_indirect_dma source(%dma_start3A_729 : memref<1000000xf32, #tpu.memory_space<hbm>>) target(%dma_start3A_725 : memref<128xf32, #tpu.memory_space<vmem>>) offsets(%dma_start3A_727 : memref<128xi32, #tpu.memory_space<vmem>>) semaphore(%arg8 : memref<!tpu.dma_semaphore, #tpu.memory_space<semaphore_mem>>)
    %dma_wait3A = arith.constant 0 : i32
    %dma_wait3A_730 = tpu.memref_slice %arg7[%dma_wait3A] : memref<512xf32, #tpu.memory_space<vmem>> -> memref<128xf32, #tpu.memory_space<vmem>>
    %dma_wait3A_731 = arith.constant 0 : i32
    %dma_wait3A_732 = tpu.memref_slice %arg6[%dma_wait3A_731] : memref<512xi32, #tpu.memory_space<vmem>> -> memref<128xi32, #tpu.memory_space<vmem>>
    %dma_wait3A_733 = arith.constant 0 : i32
    %dma_wait3A_734 = tpu.memref_slice %arg3[%dma_wait3A_733] : memref<1000000xf32, #tpu.memory_space<hbm>> -> memref<1000000xf32, #tpu.memory_space<hbm>>
    tpu.wait_indirect_dma semaphore(%arg8 : memref<!tpu.dma_semaphore, #tpu.memory_space<semaphore_mem>>) src(%dma_wait3A_734 : memref<1000000xf32, #tpu.memory_space<hbm>>) dst(%dma_wait3A_730 : memref<128xf32, #tpu.memory_space<vmem>>)
    %dma_wait3A_735 = arith.constant 128 : i32
    %dma_wait3A_736 = tpu.memref_slice %arg7[%dma_wait3A_735] : memref<512xf32, #tpu.memory_space<vmem>> -> memref<128xf32, #tpu.memory_space<vmem>>
    %dma_wait3A_737 = arith.constant 128 : i32
    %dma_wait3A_738 = tpu.memref_slice %arg6[%dma_wait3A_737] : memref<512xi32, #tpu.memory_space<vmem>> -> memref<128xi32, #tpu.memory_space<vmem>>
    %dma_wait3A_739 = arith.constant 0 : i32
    %dma_wait3A_740 = tpu.memref_slice %arg3[%dma_wait3A_739] : memref<1000000xf32, #tpu.memory_space<hbm>> -> memref<1000000xf32, #tpu.memory_space<hbm>>
    tpu.wait_indirect_dma semaphore(%arg8 : memref<!tpu.dma_semaphore, #tpu.memory_space<semaphore_mem>>) src(%dma_wait3A_740 : memref<1000000xf32, #tpu.memory_space<hbm>>) dst(%dma_wait3A_736 : memref<128xf32, #tpu.memory_space<vmem>>)
    %dma_wait3A_741 = arith.constant 256 : i32
    %dma_wait3A_742 = tpu.memref_slice %arg7[%dma_wait3A_741] : memref<512xf32, #tpu.memory_space<vmem>> -> memref<128xf32, #tpu.memory_space<vmem>>
    %dma_wait3A_743 = arith.constant 256 : i32
    %dma_wait3A_744 = tpu.memref_slice %arg6[%dma_wait3A_743] : memref<512xi32, #tpu.memory_space<vmem>> -> memref<128xi32, #tpu.memory_space<vmem>>
    %dma_wait3A_745 = arith.constant 0 : i32
    %dma_wait3A_746 = tpu.memref_slice %arg3[%dma_wait3A_745] : memref<1000000xf32, #tpu.memory_space<hbm>> -> memref<1000000xf32, #tpu.memory_space<hbm>>
    tpu.wait_indirect_dma semaphore(%arg8 : memref<!tpu.dma_semaphore, #tpu.memory_space<semaphore_mem>>) src(%dma_wait3A_746 : memref<1000000xf32, #tpu.memory_space<hbm>>) dst(%dma_wait3A_742 : memref<128xf32, #tpu.memory_space<vmem>>)
    %dma_wait3A_747 = arith.constant 384 : i32
    %dma_wait3A_748 = tpu.memref_slice %arg7[%dma_wait3A_747] : memref<512xf32, #tpu.memory_space<vmem>> -> memref<128xf32, #tpu.memory_space<vmem>>
    %dma_wait3A_749 = arith.constant 384 : i32
    %dma_wait3A_750 = tpu.memref_slice %arg6[%dma_wait3A_749] : memref<512xi32, #tpu.memory_space<vmem>> -> memref<128xi32, #tpu.memory_space<vmem>>
    %dma_wait3A_751 = arith.constant 0 : i32
    %dma_wait3A_752 = tpu.memref_slice %arg3[%dma_wait3A_751] : memref<1000000xf32, #tpu.memory_space<hbm>> -> memref<1000000xf32, #tpu.memory_space<hbm>>
    tpu.wait_indirect_dma semaphore(%arg8 : memref<!tpu.dma_semaphore, #tpu.memory_space<semaphore_mem>>) src(%dma_wait3A_752 : memref<1000000xf32, #tpu.memory_space<hbm>>) dst(%dma_wait3A_748 : memref<128xf32, #tpu.memory_space<vmem>>)
    "tpu.region"() ({
      %run_scoped3A = tpu.sem_alloc : memref<!tpu.dma_semaphore, #tpu.memory_space<semaphore_mem>>
      %dma_start3A_753 = tpu.memref_slice %arg4[%mul3A_2] : memref<16384xf32, #tpu.memory_space<hbm>> -> memref<512xf32, #tpu.memory_space<hbm>>
      %dma_start3A_754 = tpu.memref_slice %arg4[%mul3A_2] : memref<16384xf32, #tpu.memory_space<hbm>> -> memref<512xf32, #tpu.memory_space<hbm>>
      tpu.enqueue_dma source(%arg7 : memref<512xf32, #tpu.memory_space<vmem>>) target(%dma_start3A_754 : memref<512xf32, #tpu.memory_space<hbm>>) target_semaphore(%run_scoped3A : memref<!tpu.dma_semaphore, #tpu.memory_space<semaphore_mem>>)
      %dma_wait3A_755 = tpu.memref_slice %arg4[%mul3A_2] : memref<16384xf32, #tpu.memory_space<hbm>> -> memref<512xf32, #tpu.memory_space<hbm>>
      %dma_wait3A_756 = tpu.memref_slice %arg4[%mul3A_2] : memref<16384xf32, #tpu.memory_space<hbm>> -> memref<512xf32, #tpu.memory_space<hbm>>
      tpu.wait_dma2 semaphore(%run_scoped3A : memref<!tpu.dma_semaphore, #tpu.memory_space<semaphore_mem>>) src(%arg7 : memref<512xf32, #tpu.memory_space<vmem>>) dst(%dma_wait3A_756 : memref<512xf32, #tpu.memory_space<hbm>>)
      tpu.yield
    }) : () -> ()
    return
  }
}

</mosaic_0001>

<sc_bundles>
// kernel: kernel.3.cloned.1.call-start
scs
__scs_entry_jumppad:
0x0: {  	(pc) =	sbr.rel $0x88, $3  }
0x1: {  	(tag) =	ssettag $0x0;
	lr =	simm.s32 $0x1  }
0x2: {  	[smem:$0x3F9F] =	sst lr;
	_ =	strace $0xD0000000  }
0x3: {  	_ = 	snop  }
0x4: {  	_ = 	snop  }
0x5: {  	_ = 	snop  }
0x6: {  	_ = 	snop  }
0x7: {  	_ = 	snop  }
__scs_overlays_trampoline_lowered:
0x8: {  	[smem:$0x3FAE] =	sst s0  }
0x9: {  	[smem:$0x3FAF] =	sst s1  }
0xa: {  	[smem:$0x3FB0] =	sst s2  }
0xb: {  	[smem:$0x3FB1] =	sst s3  }
0xc: {  	[smem:$0x3FB2] =	sst s4  }
0xd: {  	[smem:$0x3FB3] =	sst s5  }
0xe: {  	[smem:$0x3FB4] =	sst s6  }
0xf: {  	[smem:$0x3FB5] =	sst s7  }
0x10: {  	[smem:$0x3FB6] =	sst s8  }
0x11: {  	[smem:$0x3FB7] =	sst s9;
	s0 =	simm.s32 @!p0 $0x0  }
0x12: {  	s1 =	sld [smem:$0x3F9D];
	s0 =	simm.s32 @p0 $0x1  }
0x13: {  	[smem:$0x3FB8] =	sst s0;
	s0 =	simm.s32 @!p1 $0x0  }
0x14: {  	s2 =	sld [smem:$0x3F9C];
	s0 =	simm.s32 @p1 $0x1  }
0x15: {  	[smem:$0x3FB9] =	sst s0;
	s0 =	simm.s32 @!p2 $0x0  }
0x16: {  	s3 =	sld [smem:$0x3FDB];
	s0 =	simm.s32 @p2 $0x1  }
0x17: {  	s4 =	simm.s32 $0x1BF5;
	[smem:$0x3FBB] =	sst s0  }
0x18: {  	s0 =	sld [smem:$0x3F9E];
	_ =	swait.ge [sflag:s4], $0x0  }
0x19: {  	s7 =	sld [smem:$0x3F9F]  }
0x1a: {  	s8 =	sadd.s32 $0xFFFFE003, lr  }
0x1b: {  	s9 =	sadd.s32 $0xFFFFFEF7, lr;
	s5 =	simm.s32 $0xFFFFFFFF;
	p2 =	slt.u32 s8, $0xFFFFF086  }
0x1c: {  	p1 =	slt.u32 s9, $0xF7A;
	s5 =	simm.s32 @!p2 $0x0  }
0x1d: {  	s5 =	simm.s32 @p1 $0x1;
	p0 =	seq.s32 s7, s2  }
0x1e: {  	s7 =	smul.u32 @!p0 $0xF7A, s2;
	p2 =	seq.s32 @!p0 s5, $0x0  }
0x1f: {  	s9 =	smul.u32 $0xF7A, s1;
	s8 =	simm.s32 @!p0 $0x1BF5;
	p2 =	por !p2, p0  }
0x20: {  	[sflag:s8] =	ssyncset.s32 @!p0 $0xFFFFF086;
	s6 =	sadd.s32 @!p0 s3, s7;
	s7 =	simm.s32 @!p0 $0x108  }
0x21: {  	s3 =	sadd.s32 s3, s9;
	s6 =	sadd.s32 @!p0 $0x88, s6;
	s7 =	simm.s32 @p2 $0x1082  }
0x22: {  	[simem:s7], [sflag:s8] =	dma.local @!p0 [hbm:s6], $0xF7A  }
0x23: {  	s9 =	sor.u32 $0xD0000000, s2;
	s6 =	simm.s32 $0x108;
	_ =	swait.ge @!p0 [sflag:s8], $0x0  }
0x24: {  	s3 =	sadd.s32 $0x88, s3;
	s6 =	simm.s32 @!p1 $0x1082;
	[sflag:s4] =	ssyncset.s32 $0xFFFFF086  }
0x25: {  	[simem:s6], [sflag:s4] =	dma.local [hbm:s3], $0xF7A  }
0x26: {  	[smem:$0x3F9F] =	sst s1;
	(tag) =	ssettag s2;
	_ =	strace s9  }
0x27: {  	s1 =	sld [smem:$0x3FAF]  }
0x28: {  	s2 =	sld [smem:$0x3FB0]  }
0x29: {  	s4 =	sld [smem:$0x3FB2]  }
0x2a: {  	p0 =	seq.s32 s5, $0x0;
	s5 =	sld [smem:$0x3FB3]  }
0x2b: {  	s6 =	sld [smem:$0x3FB4]  }
0x2c: {  	s7 =	sld [smem:$0x3FB5]  }
0x2d: {  	s3 =	simm.s32 $0x108;
	s8 =	sld [smem:$0x3FB6]  }
0x2e: {  	s3 =	simm.s32 @!p0 $0x1082;
	s9 =	sld [smem:$0x3FB7]  }
0x2f: {  	lr =	sadd.s32 s0, s3;
	s0 =	sld [smem:$0x3FAE]  }
0x30: {  	s3 =	sld [smem:$0x3FB1]  }
0x31: {  	[smem:$0x3FBA] =	sst s10  }
0x32: {  	s10 =	sld [smem:$0x3FB8];
	_ =	sdelay $0x3  }
0x33: {  	p0 =	seq.s32 s10, $0x1;
	s10 =	sld [smem:$0x3FBA];
	_ =	sdelay $0x3  }
0x34: {  	[smem:$0x3FBA] =	sst s10  }
0x35: {  	s10 =	sld [smem:$0x3FB9];
	_ =	sdelay $0x3  }
0x36: {  	p1 =	seq.s32 s10, $0x1;
	s10 =	sld [smem:$0x3FBA];
	_ =	sdelay $0x3  }
0x37: {  	[smem:$0x3FBA] =	sst s10  }
0x38: {  	s10 =	sld [smem:$0x3FBB]  }
0x39: {  	_ = 	snop;
	(pc) =	sbr.ind lr, $3  }
0x3a: {  	_ = 	snop  }
0x3b: {  	_ = 	snop  }
0x3c: {  	p2 =	seq.s32 s10, $0x1;
	s10 =	sld [smem:$0x3FBA]  }
0x3d: {  	_ =	shalt  }
0x3e: {  	_ =	shalt  }
0x3f: {  	_ =	shalt  }
0x40: {  	_ =	shalt  }
0x41: {  	_ =	shalt  }
0x42: {  	_ =	shalt  }
0x43: {  	_ =	shalt  }
0x44: {  	_ =	shalt  }
0x45: {  	_ =	shalt  }
0x46: {  	_ =	shalt  }
0x47: {  	_ =	shalt  }
0x48: {  	_ =	shalt  }
0x49: {  	_ =	shalt  }
0x4a: {  	_ =	shalt  }
0x4b: {  	_ =	shalt  }
0x4c: {  	_ =	shalt  }
0x4d: {  	_ =	shalt  }
0x4e: {  	_ =	shalt  }
0x4f: {  	_ =	shalt  }
0x50: {  	_ =	shalt  }
0x51: {  	_ =	shalt  }
0x52: {  	_ =	shalt  }
0x53: {  	_ =	shalt  }
0x54: {  	_ =	shalt  }
0x55: {  	_ =	shalt  }
0x56: {  	_ =	shalt  }
0x57: {  	_ =	shalt  }
0x58: {  	_ =	shalt  }
0x59: {  	_ =	shalt  }
0x5a: {  	_ =	shalt  }
0x5b: {  	_ =	shalt  }
0x5c: {  	_ =	shalt  }
0x5d: {  	_ =	shalt  }
0x5e: {  	_ =	shalt  }
0x5f: {  	_ =	shalt  }
0x60: {  	_ =	shalt  }
0x61: {  	_ =	shalt  }
0x62: {  	_ =	shalt  }
0x63: {  	_ =	shalt  }
0x64: {  	_ =	shalt  }
0x65: {  	_ =	shalt  }
0x66: {  	_ =	shalt  }
0x67: {  	_ =	shalt  }
0x68: {  	_ =	shalt  }
0x69: {  	_ =	shalt  }
0x6a: {  	_ =	shalt  }
0x6b: {  	_ =	shalt  }
0x6c: {  	_ =	shalt  }
0x6d: {  	_ =	shalt  }
0x6e: {  	_ =	shalt  }
0x6f: {  	_ =	shalt  }
0x70: {  	_ =	shalt  }
0x71: {  	_ =	shalt  }
0x72: {  	_ =	shalt  }
0x73: {  	_ =	shalt  }
0x74: {  	_ =	shalt  }
0x75: {  	_ =	shalt  }
0x76: {  	_ =	shalt  }
0x77: {  	_ =	shalt  }
0x78: {  	_ =	shalt  }
0x79: {  	_ =	shalt  }
0x7a: {  	_ =	shalt  }
0x7b: {  	_ =	shalt  }
0x7c: {  	_ =	shalt  }
0x7d: {  	_ =	shalt  }
0x7e: {  	_ =	shalt  }
0x7f: {  	_ =	shalt  }
0x80: {  	_ =	shalt  }
0x81: {  	_ =	shalt  }
0x82: {  	_ =	shalt  }
0x83: {  	_ =	shalt  }
0x84: {  	_ =	shalt  }
0x85: {  	_ =	shalt  }
0x86: {  	_ =	shalt  }
0x87: {  	_ =	shalt  }
.Lfunc_end0:
.L_simem_size_0:
called_computation_lowered:
.L_overlay_start_0:
0x88: {  	s2 =	sld [smem:$0x3FD9]  }
0x89: {  	s3 =	sld [smem:$0x3FFE];
	_ =	sdelay $0x1  }
0x8a: {  	s1 =	srdreg.scid  }
0x8b: {  	s0 =	sand.u32 $0x1, s1  }
0x8c: {  	s17 =	sshll.u32 s0, $0xA;
	s2 =	sadd.s32 s3, s2  }
0x8d: {  	s2 =	sadd.s32 s2, s17  }
0x8e: {  	[smem:$0x3FC6] =	sst s2  }
0x8f: {  	_ = 	snop  }
0x90: {  	s2 =	sld [smem:$0x3FC9]  }
0x91: {  	s18 =	sld [smem:$0x3FD0];
	(tm) =	ssettm $0x1  }
0x92: {  	s4 =	sld [smem:$0x3FFB];
	_ =	sdelay $0x3  }
0x93: {  	_ =	strace s4  }
0x94: {  	s4 =	sld [smem:$0x3FFC];
	_ =	sdelay $0x3  }
0x95: {  	_ =	strace s4  }
0x96: {  	s4 =	sld [smem:$0x3FFD];
	_ =	sdelay $0x3  }
0x97: {  	_ =	strace s4  }
0x98: {  	_ =	strace $0x8FFFFFFF  }
0x99: {  	s19 =	sld [smem:$0x3FDB];
	_ =	sdelay $0x1  }
0x9a: {  	s5 =	simm.s32 $_scs_section_size  }
0x9b: {  	s6 =	simm.s32 $_size__tile_overlayer_lowered;
	s7 =	simm.s32 $_tile_overlayer_lowered  }
0x9c: {  	s22 =	simm.s32 $0x1BFF;
	s21 =	sshll.u32 s7, $0x1;
	s4 =	sadd.s32 s5, s19  }
0x9d: {  	s8 =	simm.s32 $0x0;
	s20 =	sshll.u32 s6, $0x1;
	s6 =	sadd.s32 s21, s4  }
0x9e: {  	[timem:s8], [sflag:s22] =	dma.local [hbm:s6], s20  }
0x9f: {  	_ =	swait.ge [sflag:s22], s20  }
0xa0: {  	s5 =	ssub.s32 $0x0, s20;
	[sflag:s22] =	ssyncset.done $0x0  }
0xa1: {  	[sflag:s22] =	ssyncadd.s32 s5;
	_ =	sdelay $0x1  }
0xa2: {  	s23 =	simm.s32 $0x1B8B  }
0xa3: {  	_ =	swait.ge [sflag:s23], $0x1  }
0xa4: {  	[sflag:s23] =	ssyncset.done $0x0  }
0xa5: {  	s25 =	simm.s32 $0x1B8E;
	s24 =	sld [smem:$0x3FFE];
	[sflag:s23] =	ssyncadd.s32 $0xFFFFFFFF  }
0xa6: {  	s26 =	simm.s32 $execute0_lowered;
	[smem:$0x3FD2] =	sst s25  }
0xa7: {  	s6 =	sshll.u32 s26, $0x1;
	_ =	strace $0x80000046;
	[dreg:$0x1] =	wrdreg $0xFFFFFFFF  }
0xa8: {  	s28 =	simm.s32 $_size_execute0_lowered;
	s4 =	sadd.s32 s4, s6;
	[dreg:$0x0] =	wrdreg $0x0  }
0xa9: {  	s6 =	sshll.u32 s28, $0x1;
	[dreg:$0x2] =	wrdreg s4  }
0xaa: {  	[dreg:$0x3] =	wrdreg s6  }
0xab: {  	[dreg:$0x4] =	wrdreg $0xC0  }
0xac: {  	_ =	task [dreg:s8], $0x5FFFF  }
0xad: {  	[dreg:$0x1] =	wrdreg $0xFFFFFFFF  }
0xae: {  	[dreg:$0x0] =	wrdreg $0x60  }
0xaf: {  	[dreg:$0x2] =	wrdreg s2  }
0xb0: {  	[dreg:$0x3] =	wrdreg s24  }
0xb1: {  	[dreg:$0x4] =	wrdreg s18  }
0xb2: {  	[dreg:$0x5] =	wrdreg $0x9  }
0xb3: {  	_ =	task.clear_ibuf [dreg:s8], $0x6FFFF;
	_ =	strace $0x90000046  }
0xb4: {  	s29 =	simm.s32 $0x9;
	_ =	strace $0x80000048  }
0xb5: {  	_ =	swait.ge [sflag:s29], $0x1  }
0xb6: {  	[sflag:s29] =	ssyncadd.s32 $0xFFFFFFFF  }
0xb7: {  	_ =	strace $0x90000048  }
0xb8: {  	_ =	sfence  }
0xb9: {  	s30 =	sld [smem:$0x0];
	_ =	sdelay $0x2  }
0xba: {  	s31 =	sshll.u32 s1, $0xD;
	s1 =	sshrl.u32 s1, $0x2  }
0xbb: {  	s3 =	sand.u32 $0x4000, s31;
	s1 =	sadd.s32 s1, s30  }
0xbc: {  	s0 =	sor.u32 s3, s0;
	s1 =	sshll.u32 s1, $0x11  }
0xbd: {  	s0 =	sor.u32 s1, s0  }
0xbe: {  	s0 =	sadd.s32 $0x8F2B, s0  }
0xbf: {  	[sflag:s0] =	ssyncadd.remote.s32 $0x1  }
0xc0: {  	_ =	sfence.sel $0xFFFF  }
0xc1: {  	[dreg:$0x0] =	wrdreg $0xFFFFFFFF;
	(pc) =	sbr.abs _section_cstart, $3  }
0xc2: {  	[dreg:$0x1] =	wrdreg $0xFFFFFFFF  }
0xc3: {  	_ =	task.clear_ibuf [dreg:s8], $0x2FFFF;
	_ =	strace $0x9FFFFFFF  }
0xc4: {  	(tm) =	ssettm $0x7FFFFFFF  }
0xc5: {  	_ =	shalt  }
tec
execute0_lowered:
.L_overlay_start_1:
0x0: {  	(tag) =	ssettag $0x1  }
0x1: {  	s4 =	rddreg [dreg:$0x0]  }
0x2: {  	s3 =	rddreg [dreg:$0x1]  }
0x3: {  	s5 =	rddreg [dreg:$0x2]  }
0x4: {  	s0 =	rddreg [dreg:$0x3];
	s2 =	simm.s32 $0x0  }
0x5: {  	s6 =	srdreg.scid;
	s1 =	stileid.u32;
	s10 =	simm.s32 $0x600  }
0x6: {  	s11 =	simm.s32 $0x480;
	s12 =	simm.s32 $0x680;
	s13 =	simm.s32 $0x500  }
0x7: {  	s14 =	simm.s32 $0x700;
	s15 =	simm.s32 $0x580;
	s16 =	simm.s32 $0x780  }
0x8: {  	s17 =	simm.s32 $0x1;
	[smem:$0x7FF] =	sst s2;
	s6 =	sand.u32 $0x1, s6  }
0x9: {  	s7 =	sshll.u32 s1, $0x1;
	s3 =	sadd.s32 $0x400, s3;
	s8 =	ssub.s32 $0x2, s6  }
0xa: {  	_ =	strace $0x80000047;
	s6 =	sor.u32 s6, s7;
	s31 =	sshrl.u32 s8, $0x1  }
0xb: {  	s9 =	sshll.u32 s6, $0x7;
	s6 =	sshll.u32 s6, $0x6;
	s7 =	ssub.s32 s8, s31  }
0xc: {  	s4 =	sadd.s32 s4, s9;
	s5 =	sadd.s32 s5, s6;
	s8 =	simm.s32 $0x80  }
0xd: {  	s9 =	simm.s32 $0x400;
	s6 =	smax.u32 s7, $0x1;
	s7 =	simm.s32 $0x2  }
.LBB2_1:
0xe: {  	[tilespmem:s2], [sflag:$0x2] =	stream.linear.gather [hbm4b:s4+s2], $0x400, $0x38;
	[tilespmem:$0x800] =	vst v63  }
0xf: {  	_ =	swait.ge [sflag:s7], $0x400  }
0x10: {  	[sflag:s7] =	ssyncset.done $0x0  }
0x11: {  	[sflag:s7] =	ssyncadd.s32 $0xFFFFFC00  }
0x12: {  	v0 =	vld [tilespmem:$0x0]  }
0x13: {  	v1 =	vld [tilespmem:$0x80]  }
0x14: {  	v2 =	vld [tilespmem:$0x10]  }
0x15: {  	v3 =	vld [tilespmem:$0x90]  }
0x16: {  	v4 =	vld [tilespmem:$0x20]  }
0x17: {  	v5 =	vld [tilespmem:$0xA0]  }
0x18: {  	v6 =	vld [tilespmem:$0x30]  }
0x19: {  	v7 =	vld [tilespmem:$0xB0]  }
0x1a: {  	v8 =	vld [tilespmem:$0x40]  }
0x1b: {  	v9 =	vld [tilespmem:$0xC0]  }
0x1c: {  	v10 =	vld [tilespmem:$0x50]  }
0x1d: {  	v11 =	vld [tilespmem:$0xD0]  }
0x1e: {  	v12 =	vld [tilespmem:$0x60]  }
0x1f: {  	v13 =	vld [tilespmem:$0xE0]  }
0x20: {  	v14 =	vld [tilespmem:$0x70]  }
0x21: {  	v15 =	vld [tilespmem:$0xF0]  }
0x22: {  	v16 =	vld [tilespmem:$0x100]  }
0x23: {  	v17 =	vld [tilespmem:$0x180]  }
0x24: {  	v18 =	vld [tilespmem:$0x110]  }
0x25: {  	v19 =	vld [tilespmem:$0x190]  }
0x26: {  	v20 =	vld [tilespmem:$0x120]  }
0x27: {  	v21 =	vld [tilespmem:$0x1A0]  }
0x28: {  	v22 =	vld [tilespmem:$0x130]  }
0x29: {  	v23 =	vld [tilespmem:$0x1B0]  }
0x2a: {  	v24 =	vld [tilespmem:$0x140]  }
0x2b: {  	v25 =	vld [tilespmem:$0x1C0]  }
0x2c: {  	v26 =	vld [tilespmem:$0x150]  }
0x2d: {  	v27 =	vld [tilespmem:$0x1D0]  }
0x2e: {  	v28 =	vld [tilespmem:$0x160]  }
0x2f: {  	v29 =	vld [tilespmem:$0x1E0]  }
0x30: {  	v30 =	vld [tilespmem:$0x170]  }
0x31: {  	v31 =	vld [tilespmem:$0x1F0]  }
0x32: {  	v32 =	vld [tilespmem:$0x200]  }
0x33: {  	v33 =	vld [tilespmem:$0x280]  }
0x34: {  	v34 =	vld [tilespmem:$0x210]  }
0x35: {  	v35 =	vld [tilespmem:$0x290];
	v0 =	vmul.u32 $0x3E8, v0  }
0x36: {  	v36 =	vld [tilespmem:$0x220];
	v2 =	vmul.u32 $0x3E8, v2  }
0x37: {  	v38 =	vld [tilespmem:$0x2D0];
	v54 =	vmul.u32 $0x3E8, v4;
	v0 =	vadd.s32 v1, v0  }
0x38: {  	v41 =	vld [tilespmem:$0x260];
	v56 =	vmul.u32 $0x3E8, v6;
	v55 =	vadd.s32 v3, v2;
	[tilespmem:$0x400] =	vst v0  }
0x39: {  	v44 =	vld [tilespmem:$0x2E0];
	v58 =	vmul.u32 $0x3E8, v8;
	v57 =	vadd.s32 v5, v54;
	[tilespmem:$0x410] =	vst v55  }
0x3a: {  	v47 =	vld [tilespmem:$0x270];
	v60 =	vmul.u32 $0x3E8, v10;
	v59 =	vadd.s32 v7, v56;
	[tilespmem:$0x420] =	vst v57  }
0x3b: {  	v50 =	vld [tilespmem:$0x2F0];
	v62 =	vmul.u32 $0x3E8, v12;
	v61 =	vadd.s32 v9, v58;
	[tilespmem:$0x430] =	vst v59  }
0x3c: {  	v53 =	vld [tilespmem:$0x300];
	v12 =	vmul.u32 $0x3E8, v14;
	v63 =	vadd.s32 v11, v60;
	[tilespmem:$0x440] =	vst v61  }
0x3d: {  	v4 =	vld [tilespmem:$0x2A0];
	v37 =	vmul.u32 $0x3E8, v16;
	v14 =	vadd.s32 v13, v62;
	[tilespmem:$0x450] =	vst v63  }
0x3e: {  	v6 =	vld [tilespmem:$0x240];
	v40 =	vmul.u32 $0x3E8, v18;
	v39 =	vadd.s32 v15, v12;
	[tilespmem:$0x460] =	vst v14  }
0x3f: {  	v8 =	vld [tilespmem:$0x250];
	v43 =	vmul.u32 $0x3E8, v20;
	v42 =	vadd.s32 v17, v37;
	[tilespmem:$0x470] =	vst v39  }
0x40: {  	v46 =	vmul.u32 $0x3E8, v22;
	v22 =	vld [tilespmem:$0x320];
	v45 =	vadd.s32 v19, v40;
	[tilespmem:$0x480] =	vst v42  }
0x41: {  	v49 =	vmul.u32 $0x3E8, v24;
	v3 =	vld [tilespmem:$0x230];
	v48 =	vadd.s32 v21, v43;
	[tilespmem:$0x490] =	vst v45  }
0x42: {  	v24 =	vmul.u32 $0x3E8, v36;
	v36 =	vmul.u32 $0x3E8, v41;
	v5 =	vld [tilespmem:$0x2B0];
	v51 =	vadd.s32 v23, v46;
	[tilespmem:$0x4A0] =	vst v48  }
0x43: {  	v52 =	vmul.u32 $0x3E8, v26;
	v7 =	vld [tilespmem:$0x2C0];
	v54 =	vadd.s32 v25, v49;
	[tilespmem:$0x4B0] =	vst v51  }
0x44: {  	v56 =	vld [tilespmem:$0x380];
	v58 =	vmul.u32 $0x3E8, v30;
	v41 =	vadd.s32 v44, v36;
	[tilespmem:$0x4C0] =	vst v54  }
0x45: {  	v62 =	vld [tilespmem:$0x390];
	v21 =	vmul.u32 $0x3E8, v34;
	v57 =	vadd.s32 v27, v52;
	[tilespmem:$0x560] =	vst v41  }
0x46: {  	v25 =	vld [tilespmem:$0x3A0];
	v55 =	vmul.u32 $0x3E8, v28;
	[tilespmem:$0x4D0] =	vst v57;
	v63 =	vadd.s32 v31, v58  }
0x47: {  	v34 =	vld [tilespmem:$0x340];
	v61 =	vmul.u32 $0x3E8, v32;
	v26 =	vadd.s32 v35, v21;
	[tilespmem:$0x4F0] =	vst v63  }
0x48: {  	v37 =	vld [tilespmem:$0x3C0];
	v60 =	vadd.s32 v29, v55;
	[tilespmem:$0x510] =	vst v26  }
0x49: {  	v40 =	vld [tilespmem:$0x350];
	v39 =	vmul.u32 $0x3E8, v47;
	v23 =	vadd.s32 v33, v61;
	[tilespmem:$0x4E0] =	vst v60  }
0x4a: {  	v43 =	vld [tilespmem:$0x3D0];
	v29 =	vadd.s32 v4, v24;
	v30 =	vmul.u32 $0x3E8, v6;
	[tilespmem:$0x500] =	vst v23  }
0x4b: {  	v46 =	vld [tilespmem:$0x360];
	v33 =	vmul.u32 $0x3E8, v8;
	v44 =	vadd.s32 v50, v39;
	[tilespmem:$0x520] =	vst v29  }
0x4c: {  	v59 =	vld [tilespmem:$0x310];
	v42 =	vmul.u32 $0x3E8, v53;
	[tilespmem:$0x570] =	vst v44;
	v35 =	vadd.s32 v7, v30  }
0x4d: {  	v28 =	vld [tilespmem:$0x330];
	v48 =	vmul.u32 $0x3E8, v22;
	v38 =	vadd.s32 v38, v33;
	[tilespmem:$0x540] =	vst v35  }
0x4e: {  	v49 =	vld [tilespmem:$0x370];
	v27 =	vmul.u32 $0x3E8, v3;
	v47 =	vadd.s32 v56, v42;
	[tilespmem:$0x550] =	vst v38  }
0x4f: {  	v31 =	vld [tilespmem:$0x3B0];
	v53 =	vadd.s32 v25, v48;
	v54 =	vmul.u32 $0x3E8, v34;
	[tilespmem:$0x580] =	vst v47  }
0x50: {  	v52 =	vld [tilespmem:$0x3E0];
	v57 =	vmul.u32 $0x3E8, v40;
	[tilespmem:$0x5A0] =	vst v53;
	v32 =	vadd.s32 v5, v27  }
0x51: {  	v55 =	vld [tilespmem:$0x3F0];
	v45 =	vmul.u32 $0x3E8, v59;
	v58 =	vadd.s32 v37, v54;
	[tilespmem:$0x530] =	vst v32  }
0x52: {  	v51 =	vmul.u32 $0x3E8, v28;
	v60 =	vadd.s32 v43, v57;
	[tilespmem:$0x5C0] =	vst v58  }
0x53: {  	v59 =	vmul.u32 $0x3E8, v46;
	v50 =	vadd.s32 v62, v45;
	[tilespmem:$0x5D0] =	vst v60  }
0x54: {  	v61 =	vmul.u32 $0x3E8, v49;
	v56 =	vadd.s32 v31, v51;
	[tilespmem:$0x590] =	vst v50  }
0x55: {  	v62 =	vadd.s32 v52, v59;
	[tilespmem:$0x5B0] =	vst v56  }
0x56: {  	v63 =	vadd.s32 v55, v61;
	[tilespmem:$0x5E0] =	vst v62  }
0x57: {  	[tilespmem:$0x5F0] =	vst v63  }
0x58: {  	[tilespmem:s10], [sflag:$0x1] =	stream.indirect.gather [hbm4b:s3+s8], $0x1, s9, s8, $0xb8;
	[tilespmem:$0x800] =	vst v63  }
0x59: {  	_ = 	snop  }
0x5a: {  	[tilespmem:s12], [sflag:$0x1] =	stream.indirect.gather [hbm4b:s3+s8], $0x1, s11, s8, $0xb8;
	[tilespmem:$0x800] =	vst v63  }
0x5b: {  	_ = 	snop  }
0x5c: {  	[tilespmem:s14], [sflag:$0x1] =	stream.indirect.gather [hbm4b:s3+s8], $0x1, s13, s8, $0xb8;
	[tilespmem:$0x800] =	vst v63  }
0x5d: {  	_ = 	snop  }
0x5e: {  	[tilespmem:s16], [sflag:$0x1] =	stream.indirect.gather [hbm4b:s3+s8], $0x1, s15, s8, $0xb8;
	[tilespmem:$0x800] =	vst v63  }
0x5f: {  	_ =	swait.ge [sflag:s17], $0x80  }
0x60: {  	[sflag:s17] =	ssyncset.done $0x0  }
0x61: {  	[sflag:s17] =	ssyncadd.s32 $0xFFFFFF80  }
0x62: {  	_ =	swait.ge [sflag:s17], $0x80  }
0x63: {  	[sflag:s17] =	ssyncset.done $0x0  }
0x64: {  	[sflag:s17] =	ssyncadd.s32 $0xFFFFFF80  }
0x65: {  	_ =	swait.ge [sflag:s17], $0x80  }
0x66: {  	[sflag:s17] =	ssyncset.done $0x0  }
0x67: {  	[sflag:s17] =	ssyncadd.s32 $0xFFFFFF80  }
0x68: {  	_ =	swait.ge [sflag:s17], $0x80  }
0x69: {  	p0 =	sne.s32 s6, $0x1;
	[sflag:s17] =	ssyncset.done $0x0  }
.Ltmp0:
0x6a: {  	[sflag:s17] =	ssyncadd.s32 $0xFFFFFF80;
	(pc) =	sbr.rel @p0 .LBB2_1-.Ltmp0, $4  }
0x6b: {  	[hbm4b:s5+s2] =	stream.linear.scatter [tilespmem:s10], [sflag:$0x2], $0x200, $0x38;
	[tilespmem:$0x800] =	vst v63  }
0x6c: {  	_ =	swait.ge [sflag:s7], $0x200  }
0x6d: {  	[sflag:s7] =	ssyncset.done $0x0  }
0x6e: {  	s6 =	sadd.s32 $0xFFFFFFFF, s6;
	[sflag:s7] =	ssyncadd.s32 $0xFFFFFE00  }
0x6f: {  	_ =	sfence.sel $0x180000  }
0x70: {  	[bflag:$0x0] =	sbarrier.arrive $0xFFFF  }
0x71: {  	p0 =	sne.s32 s1, $0x0;
	_ =	strace $0x90000047  }
0x72: {  	s0 =	sadd.s32 @!p0 $0x100000, s0;
	[bflag:$0x2] =	sbarrier.arrive $0xFFFF  }
0x73: {  	[sflag:s0] =	ssyncadd.tile.s32 @!p0 $0x1;
	_ =	shalt  }
.Lfunc_end2:
_tile_overlayer_lowered:
.L_overlay_start_2:
0x74: {  	(tag) =	ssettag $0x2  }
0x75: {  	s0 =	rddreg [dreg:$0x0];
	s2 =	stileid.u32  }
0x76: {  	s1 =	rddreg [dreg:$0x1];
	p0 =	sne.s32 s2, $0x0  }
0x77: {  	s3 =	rddreg [dreg:$0x2];
	[bflag:$0x3] =	sbarrier.arrive $0xFFFF;
	s2 =	simm.s32 @!p0 $0x1C02  }
0x78: {  	[timem:s3], [sflag:s2] =	dma.local @!p0 [hbm:s0], s1  }
0x79: {  	s0 =	simm.s32 @!p0 $0x2  }
0x7a: {  	_ =	swait.ge @!p0 [sflag:s0], s1  }
0x7b: {  	s1 =	ssub.s32 @!p0 $0x0, s1;
	[sflag:s0] =	ssyncset.done @!p0 $0x0  }
0x7c: {  	[sflag:s0] =	ssyncadd.s32 @!p0 s1  }
0x7d: {  	[bflag:$0x3] =	sbarrier.arrive $0xFFFF  }
0x7e: {  	_ =	shalt  }

</sc_bundles>
